<compile_context>
chip_gen: v7x
topology: tpu7x:2x2x1
jax: 0.10.2.dev20260603
libtpu: 0.0.44.dev20260713+nightly
codegen_flags: <defaults>
</compile_context>

<pallas_src>
import jax
import jax.numpy as jnp
from jax import lax
from jax.experimental import pallas as pl
from jax.experimental.pallas import tpu as pltpu
from jax.experimental.pallas import tpu_sc as plsc

N = 10000
F = 128
E = 320000
NT = 4

NP = 10240
NC, NS = 2, 16
NW = NC * NS
K = 64
CH = 158
EW = CH * K
EP = NW * EW
RPT = NP // NS
L = 16
DR = NP // F


def _sc_agg_body(table_hbm, mask_hbm, idx_hbm, agg_out, deg_out,
                 idx_v, rows_v, mask_v, deg_v, iota_v, agg_sh, deg_sh,
                 sem, sem_i):
    c = lax.axis_index("c")
    s = lax.axis_index("s")
    wid = c * NS + s

    pltpu.sync_copy(mask_hbm, mask_v)
    for k in range(DR // L):
        iota_v[pl.ds(k * L, L)] = lax.iota(jnp.int32, L) + (k * L)

    zv = jnp.zeros((L,), jnp.float32)

    def zrow(i, carry):
        for j in range(F // L):
            rows_v[0, i, pl.ds(j * L, L)] = zv
        return carry

    lax.fori_loop(0, K, zrow, 0)

    def zdeg(i, carry):
        for j in range(F // L):
            deg_v[i, pl.ds(j * L, L)] = zv
        return carry

    lax.fori_loop(0, DR, zdeg, 0)

    base = s * RPT
    for k in range(RPT // K):
        pltpu.sync_copy(rows_v.at[0], agg_sh.at[pl.ds(base + k * K, K)])

    @pl.when(s < DR // 8)
    def _():
        pltpu.sync_copy(rows_v.at[0].at[pl.ds(0, 8)],
                        deg_sh.at[pl.ds(s * 8, 8)])

    plsc.subcore_barrier()

    pltpu.sync_copy(idx_hbm.at[wid].at[0], idx_v.at[0])
    pltpu.async_copy(table_hbm.at[idx_v.at[0].at[0]], rows_v.at[0],
                     sem.at[0])

    def chunk(j, carry):
        b = lax.rem(j, 2)
        nb = 1 - b

        @pl.when(j < CH - 1)
        def _():
            pltpu.async_copy(idx_hbm.at[wid].at[j + 1], idx_v.at[nb],
                             sem_i.at[nb])

        for v in range(K // L):
            sv = idx_v[b, 0, pl.ds(v * L, L)]
            dv = idx_v[b, 1, pl.ds(v * L, L)]
            mv = plsc.load_gather(mask_v, [sv])
            plsc.addupdate_scatter(deg_v, [dv >> 7, dv & 127], mv)
        pltpu.make_async_copy(table_hbm.at[idx_v.at[b].at[0]], rows_v.at[b],
                              sem.at[b]).wait()
        pltpu.sync_copy(rows_v.at[b], agg_sh.at[idx_v.at[b].at[1]], add=True)

        @pl.when(j < CH - 1)
        def _():
            pltpu.make_async_copy(idx_hbm.at[wid].at[j + 1], idx_v.at[nb],
                                  sem_i.at[nb]).wait()
            pltpu.async_copy(table_hbm.at[idx_v.at[nb].at[0]],
                             rows_v.at[nb], sem.at[nb])

        return carry

    lax.fori_loop(0, CH, chunk, 0)

    pltpu.sync_copy(deg_v, deg_sh.at[iota_v], add=True)
    plsc.subcore_barrier()

    for k in range(RPT // K):
        pltpu.sync_copy(agg_sh.at[pl.ds(base + k * K, K)],
                        agg_out.at[c].at[pl.ds(base + k * K, K)])

    @pl.when(s < DR // 8)
    def _():
        pltpu.sync_copy(deg_sh.at[pl.ds(s * 8, 8)],
                        deg_out.at[c].at[pl.ds(s * 8, 8)])


_sc_agg = pl.kernel(
    _sc_agg_body,
    out_type=(
        jax.ShapeDtypeStruct((NC, NP, F), jnp.float32),
        jax.ShapeDtypeStruct((NC, DR, F), jnp.float32),
    ),
    mesh=plsc.VectorSubcoreMesh(core_axis_name="c", subcore_axis_name="s"),
    compiler_params=pltpu.CompilerParams(needs_layout_passes=False),
    scratch_types=[
        pltpu.VMEM((2, 2, K), jnp.int32),
        pltpu.VMEM((2, K, F), jnp.float32),
        pltpu.VMEM((NP,), jnp.float32),
        pltpu.VMEM((DR, F), jnp.float32),
        pltpu.VMEM((DR,), jnp.int32),
        pltpu.VMEM_SHARED((NP, F), jnp.float32),
        pltpu.VMEM_SHARED((DR, F), jnp.float32),
        pltpu.SemaphoreType.DMA((2,)),
        pltpu.SemaphoreType.DMA((2,)),
    ],
)


def _prep_body(x_ref, m_ref, t_ref):
    t_ref[...] = x_ref[...] * m_ref[...]


def _prep(x_pad, m_pad):
    blk = NP // 4
    return pl.pallas_call(
        _prep_body,
        grid=(4,),
        in_specs=[
            pl.BlockSpec((blk, F), lambda g: (g, 0)),
            pl.BlockSpec((blk, 1), lambda g: (g, 0)),
        ],
        out_specs=pl.BlockSpec((blk, F), lambda g: (g, 0)),
        out_shape=jax.ShapeDtypeStruct((NP, F), jnp.float32),
    )(x_pad, m_pad)


def _finish_body(p_ref, d_ref, m_ref, we_ref, be_ref, wp_ref, bp_ref, o_ref):
    p = p_ref[...]
    a = p[0] + p[1]
    d = d_ref[...]
    dcol = d[0] + d[1]
    scale = m_ref[...] / jnp.maximum(dcol, 1.0)
    h = a * scale
    h = jnp.maximum(jnp.dot(h, we_ref[...],
                            preferred_element_type=jnp.float32,
                            precision=lax.Precision.HIGHEST) + be_ref[...], 0.0)
    wp = wp_ref[...]
    bp = bp_ref[...]
    for t in range(NT):
        h = jnp.maximum(jnp.dot(h, wp,
                                preferred_element_type=jnp.float32,
                                precision=lax.Precision.HIGHEST) + bp, 0.0)
        o_ref[t] = h


def _finish(parts, degs, m_pad, W_enc, b_enc, W_pred, b_pred):
    blk = 1000
    grid = N // blk
    return pl.pallas_call(
        _finish_body,
        grid=(grid,),
        in_specs=[
            pl.BlockSpec((NC, blk, F), lambda g: (0, g, 0)),
            pl.BlockSpec((NC, blk, 1), lambda g: (0, g, 0)),
            pl.BlockSpec((blk, 1), lambda g: (g, 0)),
            pl.BlockSpec((F, F), lambda g: (0, 0)),
            pl.BlockSpec((1, F), lambda g: (0, 0)),
            pl.BlockSpec((F, F), lambda g: (0, 0)),
            pl.BlockSpec((1, F), lambda g: (0, 0)),
        ],
        out_specs=pl.BlockSpec((NT, blk, F), lambda g: (0, g, 0)),
        out_shape=jax.ShapeDtypeStruct((NT, N, F), jnp.float32),
    )(parts, degs, m_pad, W_enc, b_enc, W_pred, b_pred)


def kernel(x, edge_index, W_enc, b_enc, W_pred, b_pred):
    mask = jax.random.bernoulli(jax.random.key(42), 0.5, (N,))
    m_col = mask.astype(jnp.float32)[:, None]
    m_pad = jnp.pad(m_col, ((0, NP - N), (0, 0)))
    x_pad = jnp.pad(x, ((0, NP - N), (0, 0)))
    table = _prep(x_pad, m_pad)

    ei = jnp.pad(edge_index, ((0, 0), (0, EP - E)), constant_values=N)
    idx = jnp.transpose(ei.reshape(2, NW, CH, K), (1, 2, 0, 3))

    parts, degs = _sc_agg(table, m_pad[:, 0], idx)

    return _finish(parts, degs.reshape(NC, NP, 1), m_pad[:N], W_enc,
                   b_enc.reshape(1, F), W_pred, b_pred.reshape(1, F))

# --- scband reference (transcript-rebuilt; emitter-appended) ---
"""Pipeline reference for scband-embedding-model-59055800320805 (READ-ONLY COPY).

The authoritative reference and input builder live on the scoring server;
editing this copy changes nothing except your own understanding.
"""

import jax, jax.numpy as jnp
import numpy as np

NUM_FEATURES = 128
NUM_TARGETS = 4
N_NODES = 10000
N_EDGES = 320000
DROP_P = 0.5


def setup_inputs(seed: int = 0) -> dict:
    key = jax.random.key(seed)
    k1, k2, k3, k4, k5, k6 = jax.random.split(key, 6)
    x = jax.random.normal(k1, (N_NODES, NUM_FEATURES), dtype=jnp.float32)
    edge_index = jax.random.randint(k2, (2, N_EDGES), 0, N_NODES, dtype=jnp.int32)
    # ContextEncoder: GCN-style layer params
    W_enc = jax.random.normal(k3, (NUM_FEATURES, NUM_FEATURES), dtype=jnp.float32) * 0.05
    b_enc = jnp.zeros((NUM_FEATURES,), dtype=jnp.float32)
    # ContextTargetPredictor: linear params (shared, applied iteratively)
    W_pred = jax.random.normal(k4, (NUM_FEATURES, NUM_FEATURES), dtype=jnp.float32) * 0.05
    b_pred = jnp.zeros((NUM_FEATURES,), dtype=jnp.float32)
    return {"x": x, "edge_index": edge_index, "W_enc": W_enc, "b_enc": b_enc, "W_pred": W_pred, "b_pred": b_pred}


def _dropout_node_edge_mask(edge_index, n_nodes):
    # dropout_node: drop each node with prob DROP_P; keep edges whose endpoints both survive
    dkey = jax.random.key(42)
    node_mask = jax.random.bernoulli(dkey, 1.0 - DROP_P, (n_nodes,))
    src, dst = edge_index[0], edge_index[1]
    edge_mask = (node_mask[src] & node_mask[dst]).astype(jnp.float32)
    return edge_mask


def reference(x, edge_index, W_enc, b_enc, W_pred, b_pred):
    n_nodes = x.shape[0]
    edge_mask = _dropout_node_edge_mask(edge_index, n_nodes)
    src, dst = edge_index[0], edge_index[1]
    # ContextEncoder: mean-aggregation message passing over surviving edges
    msgs = jnp.take(x, src, axis=0) * edge_mask[:, None]
    agg = jnp.zeros_like(x).at[dst].add(msgs)
    deg = jnp.zeros((n_nodes,), dtype=x.dtype).at[dst].add(edge_mask)
    agg = agg / jnp.clip(deg, 1.0, None)[:, None]
    h = jax.nn.relu(agg @ W_enc + b_enc)
    # Iterative target prediction
    e_u = []
    for _ in range(NUM_TARGETS):
        h = jax.nn.relu(h @ W_pred + b_pred)
        e_u.append(h)
    return jnp.stack(e_u, axis=0)

if __name__ == "__main__":
    import jax
    _d = setup_inputs()
    print(jax.jit(kernel)(*tuple(_d.values())))

</pallas_src>

<mosaic_0001>
#map = affine_map<(d0, d1) -> (0, 0)>
#map1 = affine_map<(d0, d1) -> (0)>
#map2 = affine_map<(d0, d1) -> (0, 0, 0, 0)>
#map3 = affine_map<(d0, d1) -> (0, 0, 0)>
module attributes {stable_mosaic.version = 14 : i64} {
  func.func @_sc_agg_body(%arg0: i32, %arg1: i32, %arg2: memref<10240x128xf32, #tpu.memory_space<hbm>>, %arg3: memref<10240xf32, #tpu.memory_space<hbm>>, %arg4: memref<32x158x2x64xi32, #tpu.memory_space<hbm>>, %arg5: memref<2x10240x128xf32, #tpu.memory_space<hbm>>, %arg6: memref<2x80x128xf32, #tpu.memory_space<hbm>>, %arg7: memref<2x2x64xi32, #tpu.memory_space<vmem>>, %arg8: memref<2x64x128xf32, #tpu.memory_space<vmem>>, %arg9: memref<10240xf32, #tpu.memory_space<vmem>>, %arg10: memref<80x128xf32, #tpu.memory_space<vmem>>, %arg11: memref<80xi32, #tpu.memory_space<vmem>>, %arg12: memref<10240x128xf32, #tpu.memory_space<vmem_shared>>, %arg13: memref<80x128xf32, #tpu.memory_space<vmem_shared>>, %arg14: memref<2x!tpu.dma_semaphore, #tpu.memory_space<semaphore_mem>>, %arg15: memref<2x!tpu.dma_semaphore, #tpu.memory_space<semaphore_mem>>) attributes {dimension_semantics = [#tpu.dimension_semantics<core_parallel>, #tpu.dimension_semantics<subcore_parallel>], iteration_bounds = array<i64: 2, 16>, scalar_prefetch = 0 : i64, scratch_operands = 9 : i64, tpu.core_type = #tpu.core_type<sc_vector_subcore>, window_params = [{transform_indices = #map}, {transform_indices = #map1}, {transform_indices = #map2}, {transform_indices = #map3}, {transform_indices = #map3}]} {
    %mul3A = arith.constant 16 : i32
    %mul3A_0 = arith.muli %arg0, %mul3A : i32
    %add3A = arith.addi %mul3A_0, %arg1 : i32
    "tpu.region"() ({
      %run_scoped3A_147 = tpu.sem_alloc : memref<!tpu.dma_semaphore, #tpu.memory_space<semaphore_mem>>
      tpu.enqueue_dma source(%arg3 : memref<10240xf32, #tpu.memory_space<hbm>>) target(%arg9 : memref<10240xf32, #tpu.memory_space<vmem>>) target_semaphore(%run_scoped3A_147 : memref<!tpu.dma_semaphore, #tpu.memory_space<semaphore_mem>>)
      tpu.wait_dma2 semaphore(%run_scoped3A_147 : memref<!tpu.dma_semaphore, #tpu.memory_space<semaphore_mem>>) src(%arg3 : memref<10240xf32, #tpu.memory_space<hbm>>) dst(%arg9 : memref<10240xf32, #tpu.memory_space<vmem>>)
      tpu.yield
    }) : () -> ()
    %iota3A = tpu.iota {dimensions = array<i32: 0>} : vector<16xi32>
    %add3A_1 = arith.constant 0 : i32
    %add3A_2 = vector.broadcast %add3A_1 : i32 to vector<16xi32>
    %add3A_3 = arith.addi %iota3A, %add3A_2 : vector<16xi32>
    %swap3A = arith.constant 0 : index
    %swap3A_4 = tpu.vector_load %arg11[%swap3A] {strides = array<i32>} : memref<80xi32, #tpu.memory_space<vmem>>, vector<16xi32>,
    tpu.vector_store %arg11[%swap3A], %add3A_3 {strides = array<i32>} : memref<80xi32, #tpu.memory_space<vmem>>, vector<16xi32>,
    %iota3A_5 = tpu.iota {dimensions = array<i32: 0>} : vector<16xi32>
    %add3A_6 = arith.constant 16 : i32
    %add3A_7 = vector.broadcast %add3A_6 : i32 to vector<16xi32>
    %add3A_8 = arith.addi %iota3A_5, %add3A_7 : vector<16xi32>
    %swap3A_9 = arith.constant 16 : index
    %swap3A_10 = tpu.vector_load %arg11[%swap3A_9] {strides = array<i32>} : memref<80xi32, #tpu.memory_space<vmem>>, vector<16xi32>,
    tpu.vector_store %arg11[%swap3A_9], %add3A_8 {strides = array<i32>} : memref<80xi32, #tpu.memory_space<vmem>>, vector<16xi32>,
    %iota3A_11 = tpu.iota {dimensions = array<i32: 0>} : vector<16xi32>
    %add3A_12 = arith.constant 32 : i32
    %add3A_13 = vector.broadcast %add3A_12 : i32 to vector<16xi32>
    %add3A_14 = arith.addi %iota3A_11, %add3A_13 : vector<16xi32>
    %swap3A_15 = arith.constant 32 : index
    %swap3A_16 = tpu.vector_load %arg11[%swap3A_15] {strides = array<i32>} : memref<80xi32, #tpu.memory_space<vmem>>, vector<16xi32>,
    tpu.vector_store %arg11[%swap3A_15], %add3A_14 {strides = array<i32>} : memref<80xi32, #tpu.memory_space<vmem>>, vector<16xi32>,
    %iota3A_17 = tpu.iota {dimensions = array<i32: 0>} : vector<16xi32>
    %add3A_18 = arith.constant 48 : i32
    %add3A_19 = vector.broadcast %add3A_18 : i32 to vector<16xi32>
    %add3A_20 = arith.addi %iota3A_17, %add3A_19 : vector<16xi32>
    %swap3A_21 = arith.constant 48 : index
    %swap3A_22 = tpu.vector_load %arg11[%swap3A_21] {strides = array<i32>} : memref<80xi32, #tpu.memory_space<vmem>>, vector<16xi32>,
    tpu.vector_store %arg11[%swap3A_21], %add3A_20 {strides = array<i32>} : memref<80xi32, #tpu.memory_space<vmem>>, vector<16xi32>,
    %iota3A_23 = tpu.iota {dimensions = array<i32: 0>} : vector<16xi32>
    %add3A_24 = arith.constant 64 : i32
    %add3A_25 = vector.broadcast %add3A_24 : i32 to vector<16xi32>
    %add3A_26 = arith.addi %iota3A_23, %add3A_25 : vector<16xi32>
    %swap3A_27 = arith.constant 64 : index
    %swap3A_28 = tpu.vector_load %arg11[%swap3A_27] {strides = array<i32>} : memref<80xi32, #tpu.memory_space<vmem>>, vector<16xi32>,
    tpu.vector_store %arg11[%swap3A_27], %add3A_26 {strides = array<i32>} : memref<80xi32, #tpu.memory_space<vmem>>, vector<16xi32>,
    %broadcast_in_dim3A = arith.constant 0.000000e+00 : f32
    %broadcast_in_dim3A_29 = vector.broadcast %broadcast_in_dim3A : f32 to vector<16xf32>
    %scan3A = arith.constant 0 : i32
    %scan3A_30 = arith.constant 0 : i32
    %scan3A_31 = arith.constant 64 : i32
    %scan3A_32 = arith.addi %scan3A_30, %scan3A_31 : i32
    %scan3A_33 = arith.constant 1 : i32
    scf.for %scan3A_147 = %scan3A_30 to %scan3A_32 step %scan3A_33  : i32 {
      %swap3A_148 = arith.constant 0 : i32
      %swap3A_149 = arith.index_cast %swap3A_148 : i32 to index
      %swap3A_150 = arith.index_cast %scan3A_147 : i32 to index
      %swap3A_151 = arith.constant 0 : index
      %swap3A_152 = tpu.vector_load %arg8[%swap3A_149, %swap3A_150, %swap3A_151] {strides = array<i32>} : memref<2x64x128xf32, #tpu.memory_space<vmem>>, vector<16xf32>,
      tpu.vector_store %arg8[%swap3A_149, %swap3A_150, %swap3A_151], %broadcast_in_dim3A_29 {strides = array<i32>} : memref<2x64x128xf32, #tpu.memory_space<vmem>>, vector<16xf32>,
      %swap3A_153 = arith.constant 0 : i32
      %swap3A_154 = arith.index_cast %swap3A_153 : i32 to index
      %swap3A_155 = arith.index_cast %scan3A_147 : i32 to index
      %swap3A_156 = arith.constant 16 : index
      %swap3A_157 = tpu.vector_load %arg8[%swap3A_154, %swap3A_155, %swap3A_156] {strides = array<i32>} : memref<2x64x128xf32, #tpu.memory_space<vmem>>, vector<16xf32>,
      tpu.vector_store %arg8[%swap3A_154, %swap3A_155, %swap3A_156], %broadcast_in_dim3A_29 {strides = array<i32>} : memref<2x64x128xf32, #tpu.memory_space<vmem>>, vector<16xf32>,
      %swap3A_158 = arith.constant 0 : i32
      %swap3A_159 = arith.index_cast %swap3A_158 : i32 to index
      %swap3A_160 = arith.index_cast %scan3A_147 : i32 to index
      %swap3A_161 = arith.constant 32 : index
      %swap3A_162 = tpu.vector_load %arg8[%swap3A_159, %swap3A_160, %swap3A_161] {strides = array<i32>} : memref<2x64x128xf32, #tpu.memory_space<vmem>>, vector<16xf32>,
      tpu.vector_store %arg8[%swap3A_159, %swap3A_160, %swap3A_161], %broadcast_in_dim3A_29 {strides = array<i32>} : memref<2x64x128xf32, #tpu.memory_space<vmem>>, vector<16xf32>,
      %swap3A_163 = arith.constant 0 : i32
      %swap3A_164 = arith.index_cast %swap3A_163 : i32 to index
      %swap3A_165 = arith.index_cast %scan3A_147 : i32 to index
      %swap3A_166 = arith.constant 48 : index
      %swap3A_167 = tpu.vector_load %arg8[%swap3A_164, %swap3A_165, %swap3A_166] {strides = array<i32>} : memref<2x64x128xf32, #tpu.memory_space<vmem>>, vector<16xf32>,
      tpu.vector_store %arg8[%swap3A_164, %swap3A_165, %swap3A_166], %broadcast_in_dim3A_29 {strides = array<i32>} : memref<2x64x128xf32, #tpu.memory_space<vmem>>, vector<16xf32>,
      %swap3A_168 = arith.constant 0 : i32
      %swap3A_169 = arith.index_cast %swap3A_168 : i32 to index
      %swap3A_170 = arith.index_cast %scan3A_147 : i32 to index
      %swap3A_171 = arith.constant 64 : index
      %swap3A_172 = tpu.vector_load %arg8[%swap3A_169, %swap3A_170, %swap3A_171] {strides = array<i32>} : memref<2x64x128xf32, #tpu.memory_space<vmem>>, vector<16xf32>,
      tpu.vector_store %arg8[%swap3A_169, %swap3A_170, %swap3A_171], %broadcast_in_dim3A_29 {strides = array<i32>} : memref<2x64x128xf32, #tpu.memory_space<vmem>>, vector<16xf32>,
      %swap3A_173 = arith.constant 0 : i32
      %swap3A_174 = arith.index_cast %swap3A_173 : i32 to index
      %swap3A_175 = arith.index_cast %scan3A_147 : i32 to index
      %swap3A_176 = arith.constant 80 : index
      %swap3A_177 = tpu.vector_load %arg8[%swap3A_174, %swap3A_175, %swap3A_176] {strides = array<i32>} : memref<2x64x128xf32, #tpu.memory_space<vmem>>, vector<16xf32>,
      tpu.vector_store %arg8[%swap3A_174, %swap3A_175, %swap3A_176], %broadcast_in_dim3A_29 {strides = array<i32>} : memref<2x64x128xf32, #tpu.memory_space<vmem>>, vector<16xf32>,
      %swap3A_178 = arith.constant 0 : i32
      %swap3A_179 = arith.index_cast %swap3A_178 : i32 to index
      %swap3A_180 = arith.index_cast %scan3A_147 : i32 to index
      %swap3A_181 = arith.constant 96 : index
      %swap3A_182 = tpu.vector_load %arg8[%swap3A_179, %swap3A_180, %swap3A_181] {strides = array<i32>} : memref<2x64x128xf32, #tpu.memory_space<vmem>>, vector<16xf32>,
      tpu.vector_store %arg8[%swap3A_179, %swap3A_180, %swap3A_181], %broadcast_in_dim3A_29 {strides = array<i32>} : memref<2x64x128xf32, #tpu.memory_space<vmem>>, vector<16xf32>,
      %swap3A_183 = arith.constant 0 : i32
      %swap3A_184 = arith.index_cast %swap3A_183 : i32 to index
      %swap3A_185 = arith.index_cast %scan3A_147 : i32 to index
      %swap3A_186 = arith.constant 112 : index
      %swap3A_187 = tpu.vector_load %arg8[%swap3A_184, %swap3A_185, %swap3A_186] {strides = array<i32>} : memref<2x64x128xf32, #tpu.memory_space<vmem>>, vector<16xf32>,
      tpu.vector_store %arg8[%swap3A_184, %swap3A_185, %swap3A_186], %broadcast_in_dim3A_29 {strides = array<i32>} : memref<2x64x128xf32, #tpu.memory_space<vmem>>, vector<16xf32>,
    }
    %scan3A_34 = arith.constant 64 : i32
    %scan3A_35 = arith.constant 0 : i32
    %scan3A_36 = arith.constant 0 : i32
    %scan3A_37 = arith.constant 80 : i32
    %scan3A_38 = arith.addi %scan3A_36, %scan3A_37 : i32
    %scan3A_39 = arith.constant 1 : i32
    scf.for %scan3A_147 = %scan3A_36 to %scan3A_38 step %scan3A_39  : i32 {
      %swap3A_148 = arith.index_cast %scan3A_147 : i32 to index
      %swap3A_149 = arith.constant 0 : index
      %swap3A_150 = tpu.vector_load %arg10[%swap3A_148, %swap3A_149] {strides = array<i32>} : memref<80x128xf32, #tpu.memory_space<vmem>>, vector<16xf32>,
      tpu.vector_store %arg10[%swap3A_148, %swap3A_149], %broadcast_in_dim3A_29 {strides = array<i32>} : memref<80x128xf32, #tpu.memory_space<vmem>>, vector<16xf32>,
      %swap3A_151 = arith.index_cast %scan3A_147 : i32 to index
      %swap3A_152 = arith.constant 16 : index
      %swap3A_153 = tpu.vector_load %arg10[%swap3A_151, %swap3A_152] {strides = array<i32>} : memref<80x128xf32, #tpu.memory_space<vmem>>, vector<16xf32>,
      tpu.vector_store %arg10[%swap3A_151, %swap3A_152], %broadcast_in_dim3A_29 {strides = array<i32>} : memref<80x128xf32, #tpu.memory_space<vmem>>, vector<16xf32>,
      %swap3A_154 = arith.index_cast %scan3A_147 : i32 to index
      %swap3A_155 = arith.constant 32 : index
      %swap3A_156 = tpu.vector_load %arg10[%swap3A_154, %swap3A_155] {strides = array<i32>} : memref<80x128xf32, #tpu.memory_space<vmem>>, vector<16xf32>,
      tpu.vector_store %arg10[%swap3A_154, %swap3A_155], %broadcast_in_dim3A_29 {strides = array<i32>} : memref<80x128xf32, #tpu.memory_space<vmem>>, vector<16xf32>,
      %swap3A_157 = arith.index_cast %scan3A_147 : i32 to index
      %swap3A_158 = arith.constant 48 : index
      %swap3A_159 = tpu.vector_load %arg10[%swap3A_157, %swap3A_158] {strides = array<i32>} : memref<80x128xf32, #tpu.memory_space<vmem>>, vector<16xf32>,
      tpu.vector_store %arg10[%swap3A_157, %swap3A_158], %broadcast_in_dim3A_29 {strides = array<i32>} : memref<80x128xf32, #tpu.memory_space<vmem>>, vector<16xf32>,
      %swap3A_160 = arith.index_cast %scan3A_147 : i32 to index
      %swap3A_161 = arith.constant 64 : index
      %swap3A_162 = tpu.vector_load %arg10[%swap3A_160, %swap3A_161] {strides = array<i32>} : memref<80x128xf32, #tpu.memory_space<vmem>>, vector<16xf32>,
      tpu.vector_store %arg10[%swap3A_160, %swap3A_161], %broadcast_in_dim3A_29 {strides = array<i32>} : memref<80x128xf32, #tpu.memory_space<vmem>>, vector<16xf32>,
      %swap3A_163 = arith.index_cast %scan3A_147 : i32 to index
      %swap3A_164 = arith.constant 80 : index
      %swap3A_165 = tpu.vector_load %arg10[%swap3A_163, %swap3A_164] {strides = array<i32>} : memref<80x128xf32, #tpu.memory_space<vmem>>, vector<16xf32>,
      tpu.vector_store %arg10[%swap3A_163, %swap3A_164], %broadcast_in_dim3A_29 {strides = array<i32>} : memref<80x128xf32, #tpu.memory_space<vmem>>, vector<16xf32>,
      %swap3A_166 = arith.index_cast %scan3A_147 : i32 to index
      %swap3A_167 = arith.constant 96 : index
      %swap3A_168 = tpu.vector_load %arg10[%swap3A_166, %swap3A_167] {strides = array<i32>} : memref<80x128xf32, #tpu.memory_space<vmem>>, vector<16xf32>,
      tpu.vector_store %arg10[%swap3A_166, %swap3A_167], %broadcast_in_dim3A_29 {strides = array<i32>} : memref<80x128xf32, #tpu.memory_space<vmem>>, vector<16xf32>,
      %swap3A_169 = arith.index_cast %scan3A_147 : i32 to index
      %swap3A_170 = arith.constant 112 : index
      %swap3A_171 = tpu.vector_load %arg10[%swap3A_169, %swap3A_170] {strides = array<i32>} : memref<80x128xf32, #tpu.memory_space<vmem>>, vector<16xf32>,
      tpu.vector_store %arg10[%swap3A_169, %swap3A_170], %broadcast_in_dim3A_29 {strides = array<i32>} : memref<80x128xf32, #tpu.memory_space<vmem>>, vector<16xf32>,
    }
    %scan3A_40 = arith.constant 80 : i32
    %mul3A_41 = arith.constant 640 : i32
    %mul3A_42 = arith.muli %arg1, %mul3A_41 : i32
    %add3A_43 = arith.constant 0 : i32
    %add3A_44 = arith.addi %mul3A_42, %add3A_43 : i32
    %run_scoped3A = arith.constant 0 : i32
    "tpu.region"() ({
      %run_scoped3A_147 = tpu.sem_alloc : memref<!tpu.dma_semaphore, #tpu.memory_space<semaphore_mem>>
      %dma_start3A_148 = arith.constant 0 : i32
      %dma_start3A_149 = arith.constant 0 : i32
      %dma_start3A_150 = tpu.memref_slice %arg8[%run_scoped3A, %dma_start3A_148, %dma_start3A_149] : memref<2x64x128xf32, #tpu.memory_space<vmem>> -> memref<1x64x128xf32, #tpu.memory_space<vmem>>
      %dma_start3A_151 = tpu.memref_squeeze %dma_start3A_150 : memref<1x64x128xf32, #tpu.memory_space<vmem>> -> memref<64x128xf32, #tpu.memory_space<vmem>>
      %dma_start3A_152 = arith.constant 0 : i32
      %dma_start3A_153 = tpu.memref_slice %arg12[%add3A_44, %dma_start3A_152] : memref<10240x128xf32, #tpu.memory_space<vmem_shared>> -> memref<64x128xf32, #tpu.memory_space<vmem_shared>>
      %dma_start3A_154 = arith.constant 0 : i32
      %dma_start3A_155 = tpu.memref_slice %arg12[%add3A_44, %dma_start3A_154] : memref<10240x128xf32, #tpu.memory_space<vmem_shared>> -> memref<64x128xf32, #tpu.memory_space<vmem_shared>>
      %dma_start3A_156 = arith.constant 0 : i32
      %dma_start3A_157 = arith.constant 0 : i32
      %dma_start3A_158 = tpu.memref_slice %arg8[%run_scoped3A, %dma_start3A_156, %dma_start3A_157] : memref<2x64x128xf32, #tpu.memory_space<vmem>> -> memref<1x64x128xf32, #tpu.memory_space<vmem>>
      %dma_start3A_159 = tpu.memref_squeeze %dma_start3A_158 : memref<1x64x128xf32, #tpu.memory_space<vmem>> -> memref<64x128xf32, #tpu.memory_space<vmem>>
      tpu.enqueue_dma source(%dma_start3A_159 : memref<64x128xf32, #tpu.memory_space<vmem>>) target(%dma_start3A_155 : memref<64x128xf32, #tpu.memory_space<vmem_shared>>) target_semaphore(%run_scoped3A_147 : memref<!tpu.dma_semaphore, #tpu.memory_space<semaphore_mem>>)
      %dma_wait3A = arith.constant 0 : i32
      %dma_wait3A_160 = arith.constant 0 : i32
      %dma_wait3A_161 = tpu.memref_slice %arg8[%run_scoped3A, %dma_wait3A, %dma_wait3A_160] : memref<2x64x128xf32, #tpu.memory_space<vmem>> -> memref<1x64x128xf32, #tpu.memory_space<vmem>>
      %dma_wait3A_162 = tpu.memref_squeeze %dma_wait3A_161 : memref<1x64x128xf32, #tpu.memory_space<vmem>> -> memref<64x128xf32, #tpu.memory_space<vmem>>
      %dma_wait3A_163 = arith.constant 0 : i32
      %dma_wait3A_164 = tpu.memref_slice %arg12[%add3A_44, %dma_wait3A_163] : memref<10240x128xf32, #tpu.memory_space<vmem_shared>> -> memref<64x128xf32, #tpu.memory_space<vmem_shared>>
      %dma_wait3A_165 = arith.constant 0 : i32
      %dma_wait3A_166 = tpu.memref_slice %arg12[%add3A_44, %dma_wait3A_165] : memref<10240x128xf32, #tpu.memory_space<vmem_shared>> -> memref<64x128xf32, #tpu.memory_space<vmem_shared>>
      %dma_wait3A_167 = arith.constant 0 : i32
      %dma_wait3A_168 = arith.constant 0 : i32
      %dma_wait3A_169 = tpu.memref_slice %arg8[%run_scoped3A, %dma_wait3A_167, %dma_wait3A_168] : memref<2x64x128xf32, #tpu.memory_space<vmem>> -> memref<1x64x128xf32, #tpu.memory_space<vmem>>
      %dma_wait3A_170 = tpu.memref_squeeze %dma_wait3A_169 : memref<1x64x128xf32, #tpu.memory_space<vmem>> -> memref<64x128xf32, #tpu.memory_space<vmem>>
      tpu.wait_dma2 semaphore(%run_scoped3A_147 : memref<!tpu.dma_semaphore, #tpu.memory_space<semaphore_mem>>) src(%dma_wait3A_170 : memref<64x128xf32, #tpu.memory_space<vmem>>) dst(%dma_wait3A_166 : memref<64x128xf32, #tpu.memory_space<vmem_shared>>)
      tpu.yield
    }) : () -> ()
    %add3A_45 = arith.constant 64 : i32
    %add3A_46 = arith.addi %mul3A_42, %add3A_45 : i32
    %run_scoped3A_47 = arith.constant 0 : i32
    "tpu.region"() ({
      %run_scoped3A_147 = tpu.sem_alloc : memref<!tpu.dma_semaphore, #tpu.memory_space<semaphore_mem>>
      %dma_start3A_148 = arith.constant 0 : i32
      %dma_start3A_149 = arith.constant 0 : i32
      %dma_start3A_150 = tpu.memref_slice %arg8[%run_scoped3A_47, %dma_start3A_148, %dma_start3A_149] : memref<2x64x128xf32, #tpu.memory_space<vmem>> -> memref<1x64x128xf32, #tpu.memory_space<vmem>>
      %dma_start3A_151 = tpu.memref_squeeze %dma_start3A_150 : memref<1x64x128xf32, #tpu.memory_space<vmem>> -> memref<64x128xf32, #tpu.memory_space<vmem>>
      %dma_start3A_152 = arith.constant 0 : i32
      %dma_start3A_153 = tpu.memref_slice %arg12[%add3A_46, %dma_start3A_152] : memref<10240x128xf32, #tpu.memory_space<vmem_shared>> -> memref<64x128xf32, #tpu.memory_space<vmem_shared>>
      %dma_start3A_154 = arith.constant 0 : i32
      %dma_start3A_155 = tpu.memref_slice %arg12[%add3A_46, %dma_start3A_154] : memref<10240x128xf32, #tpu.memory_space<vmem_shared>> -> memref<64x128xf32, #tpu.memory_space<vmem_shared>>
      %dma_start3A_156 = arith.constant 0 : i32
      %dma_start3A_157 = arith.constant 0 : i32
      %dma_start3A_158 = tpu.memref_slice %arg8[%run_scoped3A_47, %dma_start3A_156, %dma_start3A_157] : memref<2x64x128xf32, #tpu.memory_space<vmem>> -> memref<1x64x128xf32, #tpu.memory_space<vmem>>
      %dma_start3A_159 = tpu.memref_squeeze %dma_start3A_158 : memref<1x64x128xf32, #tpu.memory_space<vmem>> -> memref<64x128xf32, #tpu.memory_space<vmem>>
      tpu.enqueue_dma source(%dma_start3A_159 : memref<64x128xf32, #tpu.memory_space<vmem>>) target(%dma_start3A_155 : memref<64x128xf32, #tpu.memory_space<vmem_shared>>) target_semaphore(%run_scoped3A_147 : memref<!tpu.dma_semaphore, #tpu.memory_space<semaphore_mem>>)
      %dma_wait3A = arith.constant 0 : i32
      %dma_wait3A_160 = arith.constant 0 : i32
      %dma_wait3A_161 = tpu.memref_slice %arg8[%run_scoped3A_47, %dma_wait3A, %dma_wait3A_160] : memref<2x64x128xf32, #tpu.memory_space<vmem>> -> memref<1x64x128xf32, #tpu.memory_space<vmem>>
      %dma_wait3A_162 = tpu.memref_squeeze %dma_wait3A_161 : memref<1x64x128xf32, #tpu.memory_space<vmem>> -> memref<64x128xf32, #tpu.memory_space<vmem>>
      %dma_wait3A_163 = arith.constant 0 : i32
      %dma_wait3A_164 = tpu.memref_slice %arg12[%add3A_46, %dma_wait3A_163] : memref<10240x128xf32, #tpu.memory_space<vmem_shared>> -> memref<64x128xf32, #tpu.memory_space<vmem_shared>>
      %dma_wait3A_165 = arith.constant 0 : i32
      %dma_wait3A_166 = tpu.memref_slice %arg12[%add3A_46, %dma_wait3A_165] : memref<10240x128xf32, #tpu.memory_space<vmem_shared>> -> memref<64x128xf32, #tpu.memory_space<vmem_shared>>
      %dma_wait3A_167 = arith.constant 0 : i32
      %dma_wait3A_168 = arith.constant 0 : i32
      %dma_wait3A_169 = tpu.memref_slice %arg8[%run_scoped3A_47, %dma_wait3A_167, %dma_wait3A_168] : memref<2x64x128xf32, #tpu.memory_space<vmem>> -> memref<1x64x128xf32, #tpu.memory_space<vmem>>
      %dma_wait3A_170 = tpu.memref_squeeze %dma_wait3A_169 : memref<1x64x128xf32, #tpu.memory_space<vmem>> -> memref<64x128xf32, #tpu.memory_space<vmem>>
      tpu.wait_dma2 semaphore(%run_scoped3A_147 : memref<!tpu.dma_semaphore, #tpu.memory_space<semaphore_mem>>) src(%dma_wait3A_170 : memref<64x128xf32, #tpu.memory_space<vmem>>) dst(%dma_wait3A_166 : memref<64x128xf32, #tpu.memory_space<vmem_shared>>)
      tpu.yield
    }) : () -> ()
    %add3A_48 = arith.constant 128 : i32
    %add3A_49 = arith.addi %mul3A_42, %add3A_48 : i32
    %run_scoped3A_50 = arith.constant 0 : i32
    "tpu.region"() ({
      %run_scoped3A_147 = tpu.sem_alloc : memref<!tpu.dma_semaphore, #tpu.memory_space<semaphore_mem>>
      %dma_start3A_148 = arith.constant 0 : i32
      %dma_start3A_149 = arith.constant 0 : i32
      %dma_start3A_150 = tpu.memref_slice %arg8[%run_scoped3A_50, %dma_start3A_148, %dma_start3A_149] : memref<2x64x128xf32, #tpu.memory_space<vmem>> -> memref<1x64x128xf32, #tpu.memory_space<vmem>>
      %dma_start3A_151 = tpu.memref_squeeze %dma_start3A_150 : memref<1x64x128xf32, #tpu.memory_space<vmem>> -> memref<64x128xf32, #tpu.memory_space<vmem>>
      %dma_start3A_152 = arith.constant 0 : i32
      %dma_start3A_153 = tpu.memref_slice %arg12[%add3A_49, %dma_start3A_152] : memref<10240x128xf32, #tpu.memory_space<vmem_shared>> -> memref<64x128xf32, #tpu.memory_space<vmem_shared>>
      %dma_start3A_154 = arith.constant 0 : i32
      %dma_start3A_155 = tpu.memref_slice %arg12[%add3A_49, %dma_start3A_154] : memref<10240x128xf32, #tpu.memory_space<vmem_shared>> -> memref<64x128xf32, #tpu.memory_space<vmem_shared>>
      %dma_start3A_156 = arith.constant 0 : i32
      %dma_start3A_157 = arith.constant 0 : i32
      %dma_start3A_158 = tpu.memref_slice %arg8[%run_scoped3A_50, %dma_start3A_156, %dma_start3A_157] : memref<2x64x128xf32, #tpu.memory_space<vmem>> -> memref<1x64x128xf32, #tpu.memory_space<vmem>>
      %dma_start3A_159 = tpu.memref_squeeze %dma_start3A_158 : memref<1x64x128xf32, #tpu.memory_space<vmem>> -> memref<64x128xf32, #tpu.memory_space<vmem>>
      tpu.enqueue_dma source(%dma_start3A_159 : memref<64x128xf32, #tpu.memory_space<vmem>>) target(%dma_start3A_155 : memref<64x128xf32, #tpu.memory_space<vmem_shared>>) target_semaphore(%run_scoped3A_147 : memref<!tpu.dma_semaphore, #tpu.memory_space<semaphore_mem>>)
      %dma_wait3A = arith.constant 0 : i32
      %dma_wait3A_160 = arith.constant 0 : i32
      %dma_wait3A_161 = tpu.memref_slice %arg8[%run_scoped3A_50, %dma_wait3A, %dma_wait3A_160] : memref<2x64x128xf32, #tpu.memory_space<vmem>> -> memref<1x64x128xf32, #tpu.memory_space<vmem>>
      %dma_wait3A_162 = tpu.memref_squeeze %dma_wait3A_161 : memref<1x64x128xf32, #tpu.memory_space<vmem>> -> memref<64x128xf32, #tpu.memory_space<vmem>>
      %dma_wait3A_163 = arith.constant 0 : i32
      %dma_wait3A_164 = tpu.memref_slice %arg12[%add3A_49, %dma_wait3A_163] : memref<10240x128xf32, #tpu.memory_space<vmem_shared>> -> memref<64x128xf32, #tpu.memory_space<vmem_shared>>
      %dma_wait3A_165 = arith.constant 0 : i32
      %dma_wait3A_166 = tpu.memref_slice %arg12[%add3A_49, %dma_wait3A_165] : memref<10240x128xf32, #tpu.memory_space<vmem_shared>> -> memref<64x128xf32, #tpu.memory_space<vmem_shared>>
      %dma_wait3A_167 = arith.constant 0 : i32
      %dma_wait3A_168 = arith.constant 0 : i32
      %dma_wait3A_169 = tpu.memref_slice %arg8[%run_scoped3A_50, %dma_wait3A_167, %dma_wait3A_168] : memref<2x64x128xf32, #tpu.memory_space<vmem>> -> memref<1x64x128xf32, #tpu.memory_space<vmem>>
      %dma_wait3A_170 = tpu.memref_squeeze %dma_wait3A_169 : memref<1x64x128xf32, #tpu.memory_space<vmem>> -> memref<64x128xf32, #tpu.memory_space<vmem>>
      tpu.wait_dma2 semaphore(%run_scoped3A_147 : memref<!tpu.dma_semaphore, #tpu.memory_space<semaphore_mem>>) src(%dma_wait3A_170 : memref<64x128xf32, #tpu.memory_space<vmem>>) dst(%dma_wait3A_166 : memref<64x128xf32, #tpu.memory_space<vmem_shared>>)
      tpu.yield
    }) : () -> ()
    %add3A_51 = arith.constant 192 : i32
    %add3A_52 = arith.addi %mul3A_42, %add3A_51 : i32
    %run_scoped3A_53 = arith.constant 0 : i32
    "tpu.region"() ({
      %run_scoped3A_147 = tpu.sem_alloc : memref<!tpu.dma_semaphore, #tpu.memory_space<semaphore_mem>>
      %dma_start3A_148 = arith.constant 0 : i32
      %dma_start3A_149 = arith.constant 0 : i32
      %dma_start3A_150 = tpu.memref_slice %arg8[%run_scoped3A_53, %dma_start3A_148, %dma_start3A_149] : memref<2x64x128xf32, #tpu.memory_space<vmem>> -> memref<1x64x128xf32, #tpu.memory_space<vmem>>
      %dma_start3A_151 = tpu.memref_squeeze %dma_start3A_150 : memref<1x64x128xf32, #tpu.memory_space<vmem>> -> memref<64x128xf32, #tpu.memory_space<vmem>>
      %dma_start3A_152 = arith.constant 0 : i32
      %dma_start3A_153 = tpu.memref_slice %arg12[%add3A_52, %dma_start3A_152] : memref<10240x128xf32, #tpu.memory_space<vmem_shared>> -> memref<64x128xf32, #tpu.memory_space<vmem_shared>>
      %dma_start3A_154 = arith.constant 0 : i32
      %dma_start3A_155 = tpu.memref_slice %arg12[%add3A_52, %dma_start3A_154] : memref<10240x128xf32, #tpu.memory_space<vmem_shared>> -> memref<64x128xf32, #tpu.memory_space<vmem_shared>>
      %dma_start3A_156 = arith.constant 0 : i32
      %dma_start3A_157 = arith.constant 0 : i32
      %dma_start3A_158 = tpu.memref_slice %arg8[%run_scoped3A_53, %dma_start3A_156, %dma_start3A_157] : memref<2x64x128xf32, #tpu.memory_space<vmem>> -> memref<1x64x128xf32, #tpu.memory_space<vmem>>
      %dma_start3A_159 = tpu.memref_squeeze %dma_start3A_158 : memref<1x64x128xf32, #tpu.memory_space<vmem>> -> memref<64x128xf32, #tpu.memory_space<vmem>>
      tpu.enqueue_dma source(%dma_start3A_159 : memref<64x128xf32, #tpu.memory_space<vmem>>) target(%dma_start3A_155 : memref<64x128xf32, #tpu.memory_space<vmem_shared>>) target_semaphore(%run_scoped3A_147 : memref<!tpu.dma_semaphore, #tpu.memory_space<semaphore_mem>>)
      %dma_wait3A = arith.constant 0 : i32
      %dma_wait3A_160 = arith.constant 0 : i32
      %dma_wait3A_161 = tpu.memref_slice %arg8[%run_scoped3A_53, %dma_wait3A, %dma_wait3A_160] : memref<2x64x128xf32, #tpu.memory_space<vmem>> -> memref<1x64x128xf32, #tpu.memory_space<vmem>>
      %dma_wait3A_162 = tpu.memref_squeeze %dma_wait3A_161 : memref<1x64x128xf32, #tpu.memory_space<vmem>> -> memref<64x128xf32, #tpu.memory_space<vmem>>
      %dma_wait3A_163 = arith.constant 0 : i32
      %dma_wait3A_164 = tpu.memref_slice %arg12[%add3A_52, %dma_wait3A_163] : memref<10240x128xf32, #tpu.memory_space<vmem_shared>> -> memref<64x128xf32, #tpu.memory_space<vmem_shared>>
      %dma_wait3A_165 = arith.constant 0 : i32
      %dma_wait3A_166 = tpu.memref_slice %arg12[%add3A_52, %dma_wait3A_165] : memref<10240x128xf32, #tpu.memory_space<vmem_shared>> -> memref<64x128xf32, #tpu.memory_space<vmem_shared>>
      %dma_wait3A_167 = arith.constant 0 : i32
      %dma_wait3A_168 = arith.constant 0 : i32
      %dma_wait3A_169 = tpu.memref_slice %arg8[%run_scoped3A_53, %dma_wait3A_167, %dma_wait3A_168] : memref<2x64x128xf32, #tpu.memory_space<vmem>> -> memref<1x64x128xf32, #tpu.memory_space<vmem>>
      %dma_wait3A_170 = tpu.memref_squeeze %dma_wait3A_169 : memref<1x64x128xf32, #tpu.memory_space<vmem>> -> memref<64x128xf32, #tpu.memory_space<vmem>>
      tpu.wait_dma2 semaphore(%run_scoped3A_147 : memref<!tpu.dma_semaphore, #tpu.memory_space<semaphore_mem>>) src(%dma_wait3A_170 : memref<64x128xf32, #tpu.memory_space<vmem>>) dst(%dma_wait3A_166 : memref<64x128xf32, #tpu.memory_space<vmem_shared>>)
      tpu.yield
    }) : () -> ()
    %add3A_54 = arith.constant 256 : i32
    %add3A_55 = arith.addi %mul3A_42, %add3A_54 : i32
    %run_scoped3A_56 = arith.constant 0 : i32
    "tpu.region"() ({
      %run_scoped3A_147 = tpu.sem_alloc : memref<!tpu.dma_semaphore, #tpu.memory_space<semaphore_mem>>
      %dma_start3A_148 = arith.constant 0 : i32
      %dma_start3A_149 = arith.constant 0 : i32
      %dma_start3A_150 = tpu.memref_slice %arg8[%run_scoped3A_56, %dma_start3A_148, %dma_start3A_149] : memref<2x64x128xf32, #tpu.memory_space<vmem>> -> memref<1x64x128xf32, #tpu.memory_space<vmem>>
      %dma_start3A_151 = tpu.memref_squeeze %dma_start3A_150 : memref<1x64x128xf32, #tpu.memory_space<vmem>> -> memref<64x128xf32, #tpu.memory_space<vmem>>
      %dma_start3A_152 = arith.constant 0 : i32
      %dma_start3A_153 = tpu.memref_slice %arg12[%add3A_55, %dma_start3A_152] : memref<10240x128xf32, #tpu.memory_space<vmem_shared>> -> memref<64x128xf32, #tpu.memory_space<vmem_shared>>
      %dma_start3A_154 = arith.constant 0 : i32
      %dma_start3A_155 = tpu.memref_slice %arg12[%add3A_55, %dma_start3A_154] : memref<10240x128xf32, #tpu.memory_space<vmem_shared>> -> memref<64x128xf32, #tpu.memory_space<vmem_shared>>
      %dma_start3A_156 = arith.constant 0 : i32
      %dma_start3A_157 = arith.constant 0 : i32
      %dma_start3A_158 = tpu.memref_slice %arg8[%run_scoped3A_56, %dma_start3A_156, %dma_start3A_157] : memref<2x64x128xf32, #tpu.memory_space<vmem>> -> memref<1x64x128xf32, #tpu.memory_space<vmem>>
      %dma_start3A_159 = tpu.memref_squeeze %dma_start3A_158 : memref<1x64x128xf32, #tpu.memory_space<vmem>> -> memref<64x128xf32, #tpu.memory_space<vmem>>
      tpu.enqueue_dma source(%dma_start3A_159 : memref<64x128xf32, #tpu.memory_space<vmem>>) target(%dma_start3A_155 : memref<64x128xf32, #tpu.memory_space<vmem_shared>>) target_semaphore(%run_scoped3A_147 : memref<!tpu.dma_semaphore, #tpu.memory_space<semaphore_mem>>)
      %dma_wait3A = arith.constant 0 : i32
      %dma_wait3A_160 = arith.constant 0 : i32
      %dma_wait3A_161 = tpu.memref_slice %arg8[%run_scoped3A_56, %dma_wait3A, %dma_wait3A_160] : memref<2x64x128xf32, #tpu.memory_space<vmem>> -> memref<1x64x128xf32, #tpu.memory_space<vmem>>
      %dma_wait3A_162 = tpu.memref_squeeze %dma_wait3A_161 : memref<1x64x128xf32, #tpu.memory_space<vmem>> -> memref<64x128xf32, #tpu.memory_space<vmem>>
      %dma_wait3A_163 = arith.constant 0 : i32
      %dma_wait3A_164 = tpu.memref_slice %arg12[%add3A_55, %dma_wait3A_163] : memref<10240x128xf32, #tpu.memory_space<vmem_shared>> -> memref<64x128xf32, #tpu.memory_space<vmem_shared>>
      %dma_wait3A_165 = arith.constant 0 : i32
      %dma_wait3A_166 = tpu.memref_slice %arg12[%add3A_55, %dma_wait3A_165] : memref<10240x128xf32, #tpu.memory_space<vmem_shared>> -> memref<64x128xf32, #tpu.memory_space<vmem_shared>>
      %dma_wait3A_167 = arith.constant 0 : i32
      %dma_wait3A_168 = arith.constant 0 : i32
      %dma_wait3A_169 = tpu.memref_slice %arg8[%run_scoped3A_56, %dma_wait3A_167, %dma_wait3A_168] : memref<2x64x128xf32, #tpu.memory_space<vmem>> -> memref<1x64x128xf32, #tpu.memory_space<vmem>>
      %dma_wait3A_170 = tpu.memref_squeeze %dma_wait3A_169 : memref<1x64x128xf32, #tpu.memory_space<vmem>> -> memref<64x128xf32, #tpu.memory_space<vmem>>
      tpu.wait_dma2 semaphore(%run_scoped3A_147 : memref<!tpu.dma_semaphore, #tpu.memory_space<semaphore_mem>>) src(%dma_wait3A_170 : memref<64x128xf32, #tpu.memory_space<vmem>>) dst(%dma_wait3A_166 : memref<64x128xf32, #tpu.memory_space<vmem_shared>>)
      tpu.yield
    }) : () -> ()
    %add3A_57 = arith.constant 320 : i32
    %add3A_58 = arith.addi %mul3A_42, %add3A_57 : i32
    %run_scoped3A_59 = arith.constant 0 : i32
    "tpu.region"() ({
      %run_scoped3A_147 = tpu.sem_alloc : memref<!tpu.dma_semaphore, #tpu.memory_space<semaphore_mem>>
      %dma_start3A_148 = arith.constant 0 : i32
      %dma_start3A_149 = arith.constant 0 : i32
      %dma_start3A_150 = tpu.memref_slice %arg8[%run_scoped3A_59, %dma_start3A_148, %dma_start3A_149] : memref<2x64x128xf32, #tpu.memory_space<vmem>> -> memref<1x64x128xf32, #tpu.memory_space<vmem>>
      %dma_start3A_151 = tpu.memref_squeeze %dma_start3A_150 : memref<1x64x128xf32, #tpu.memory_space<vmem>> -> memref<64x128xf32, #tpu.memory_space<vmem>>
      %dma_start3A_152 = arith.constant 0 : i32
      %dma_start3A_153 = tpu.memref_slice %arg12[%add3A_58, %dma_start3A_152] : memref<10240x128xf32, #tpu.memory_space<vmem_shared>> -> memref<64x128xf32, #tpu.memory_space<vmem_shared>>
      %dma_start3A_154 = arith.constant 0 : i32
      %dma_start3A_155 = tpu.memref_slice %arg12[%add3A_58, %dma_start3A_154] : memref<10240x128xf32, #tpu.memory_space<vmem_shared>> -> memref<64x128xf32, #tpu.memory_space<vmem_shared>>
      %dma_start3A_156 = arith.constant 0 : i32
      %dma_start3A_157 = arith.constant 0 : i32
      %dma_start3A_158 = tpu.memref_slice %arg8[%run_scoped3A_59, %dma_start3A_156, %dma_start3A_157] : memref<2x64x128xf32, #tpu.memory_space<vmem>> -> memref<1x64x128xf32, #tpu.memory_space<vmem>>
      %dma_start3A_159 = tpu.memref_squeeze %dma_start3A_158 : memref<1x64x128xf32, #tpu.memory_space<vmem>> -> memref<64x128xf32, #tpu.memory_space<vmem>>
      tpu.enqueue_dma source(%dma_start3A_159 : memref<64x128xf32, #tpu.memory_space<vmem>>) target(%dma_start3A_155 : memref<64x128xf32, #tpu.memory_space<vmem_shared>>) target_semaphore(%run_scoped3A_147 : memref<!tpu.dma_semaphore, #tpu.memory_space<semaphore_mem>>)
      %dma_wait3A = arith.constant 0 : i32
      %dma_wait3A_160 = arith.constant 0 : i32
      %dma_wait3A_161 = tpu.memref_slice %arg8[%run_scoped3A_59, %dma_wait3A, %dma_wait3A_160] : memref<2x64x128xf32, #tpu.memory_space<vmem>> -> memref<1x64x128xf32, #tpu.memory_space<vmem>>
      %dma_wait3A_162 = tpu.memref_squeeze %dma_wait3A_161 : memref<1x64x128xf32, #tpu.memory_space<vmem>> -> memref<64x128xf32, #tpu.memory_space<vmem>>
      %dma_wait3A_163 = arith.constant 0 : i32
      %dma_wait3A_164 = tpu.memref_slice %arg12[%add3A_58, %dma_wait3A_163] : memref<10240x128xf32, #tpu.memory_space<vmem_shared>> -> memref<64x128xf32, #tpu.memory_space<vmem_shared>>
      %dma_wait3A_165 = arith.constant 0 : i32
      %dma_wait3A_166 = tpu.memref_slice %arg12[%add3A_58, %dma_wait3A_165] : memref<10240x128xf32, #tpu.memory_space<vmem_shared>> -> memref<64x128xf32, #tpu.memory_space<vmem_shared>>
      %dma_wait3A_167 = arith.constant 0 : i32
      %dma_wait3A_168 = arith.constant 0 : i32
      %dma_wait3A_169 = tpu.memref_slice %arg8[%run_scoped3A_59, %dma_wait3A_167, %dma_wait3A_168] : memref<2x64x128xf32, #tpu.memory_space<vmem>> -> memref<1x64x128xf32, #tpu.memory_space<vmem>>
      %dma_wait3A_170 = tpu.memref_squeeze %dma_wait3A_169 : memref<1x64x128xf32, #tpu.memory_space<vmem>> -> memref<64x128xf32, #tpu.memory_space<vmem>>
      tpu.wait_dma2 semaphore(%run_scoped3A_147 : memref<!tpu.dma_semaphore, #tpu.memory_space<semaphore_mem>>) src(%dma_wait3A_170 : memref<64x128xf32, #tpu.memory_space<vmem>>) dst(%dma_wait3A_166 : memref<64x128xf32, #tpu.memory_space<vmem_shared>>)
      tpu.yield
    }) : () -> ()
    %add3A_60 = arith.constant 384 : i32
    %add3A_61 = arith.addi %mul3A_42, %add3A_60 : i32
    %run_scoped3A_62 = arith.constant 0 : i32
    "tpu.region"() ({
      %run_scoped3A_147 = tpu.sem_alloc : memref<!tpu.dma_semaphore, #tpu.memory_space<semaphore_mem>>
      %dma_start3A_148 = arith.constant 0 : i32
      %dma_start3A_149 = arith.constant 0 : i32
      %dma_start3A_150 = tpu.memref_slice %arg8[%run_scoped3A_62, %dma_start3A_148, %dma_start3A_149] : memref<2x64x128xf32, #tpu.memory_space<vmem>> -> memref<1x64x128xf32, #tpu.memory_space<vmem>>
      %dma_start3A_151 = tpu.memref_squeeze %dma_start3A_150 : memref<1x64x128xf32, #tpu.memory_space<vmem>> -> memref<64x128xf32, #tpu.memory_space<vmem>>
      %dma_start3A_152 = arith.constant 0 : i32
      %dma_start3A_153 = tpu.memref_slice %arg12[%add3A_61, %dma_start3A_152] : memref<10240x128xf32, #tpu.memory_space<vmem_shared>> -> memref<64x128xf32, #tpu.memory_space<vmem_shared>>
      %dma_start3A_154 = arith.constant 0 : i32
      %dma_start3A_155 = tpu.memref_slice %arg12[%add3A_61, %dma_start3A_154] : memref<10240x128xf32, #tpu.memory_space<vmem_shared>> -> memref<64x128xf32, #tpu.memory_space<vmem_shared>>
      %dma_start3A_156 = arith.constant 0 : i32
      %dma_start3A_157 = arith.constant 0 : i32
      %dma_start3A_158 = tpu.memref_slice %arg8[%run_scoped3A_62, %dma_start3A_156, %dma_start3A_157] : memref<2x64x128xf32, #tpu.memory_space<vmem>> -> memref<1x64x128xf32, #tpu.memory_space<vmem>>
      %dma_start3A_159 = tpu.memref_squeeze %dma_start3A_158 : memref<1x64x128xf32, #tpu.memory_space<vmem>> -> memref<64x128xf32, #tpu.memory_space<vmem>>
      tpu.enqueue_dma source(%dma_start3A_159 : memref<64x128xf32, #tpu.memory_space<vmem>>) target(%dma_start3A_155 : memref<64x128xf32, #tpu.memory_space<vmem_shared>>) target_semaphore(%run_scoped3A_147 : memref<!tpu.dma_semaphore, #tpu.memory_space<semaphore_mem>>)
      %dma_wait3A = arith.constant 0 : i32
      %dma_wait3A_160 = arith.constant 0 : i32
      %dma_wait3A_161 = tpu.memref_slice %arg8[%run_scoped3A_62, %dma_wait3A, %dma_wait3A_160] : memref<2x64x128xf32, #tpu.memory_space<vmem>> -> memref<1x64x128xf32, #tpu.memory_space<vmem>>
      %dma_wait3A_162 = tpu.memref_squeeze %dma_wait3A_161 : memref<1x64x128xf32, #tpu.memory_space<vmem>> -> memref<64x128xf32, #tpu.memory_space<vmem>>
      %dma_wait3A_163 = arith.constant 0 : i32
      %dma_wait3A_164 = tpu.memref_slice %arg12[%add3A_61, %dma_wait3A_163] : memref<10240x128xf32, #tpu.memory_space<vmem_shared>> -> memref<64x128xf32, #tpu.memory_space<vmem_shared>>
      %dma_wait3A_165 = arith.constant 0 : i32
      %dma_wait3A_166 = tpu.memref_slice %arg12[%add3A_61, %dma_wait3A_165] : memref<10240x128xf32, #tpu.memory_space<vmem_shared>> -> memref<64x128xf32, #tpu.memory_space<vmem_shared>>
      %dma_wait3A_167 = arith.constant 0 : i32
      %dma_wait3A_168 = arith.constant 0 : i32
      %dma_wait3A_169 = tpu.memref_slice %arg8[%run_scoped3A_62, %dma_wait3A_167, %dma_wait3A_168] : memref<2x64x128xf32, #tpu.memory_space<vmem>> -> memref<1x64x128xf32, #tpu.memory_space<vmem>>
      %dma_wait3A_170 = tpu.memref_squeeze %dma_wait3A_169 : memref<1x64x128xf32, #tpu.memory_space<vmem>> -> memref<64x128xf32, #tpu.memory_space<vmem>>
      tpu.wait_dma2 semaphore(%run_scoped3A_147 : memref<!tpu.dma_semaphore, #tpu.memory_space<semaphore_mem>>) src(%dma_wait3A_170 : memref<64x128xf32, #tpu.memory_space<vmem>>) dst(%dma_wait3A_166 : memref<64x128xf32, #tpu.memory_space<vmem_shared>>)
      tpu.yield
    }) : () -> ()
    %add3A_63 = arith.constant 448 : i32
    %add3A_64 = arith.addi %mul3A_42, %add3A_63 : i32
    %run_scoped3A_65 = arith.constant 0 : i32
    "tpu.region"() ({
      %run_scoped3A_147 = tpu.sem_alloc : memref<!tpu.dma_semaphore, #tpu.memory_space<semaphore_mem>>
      %dma_start3A_148 = arith.constant 0 : i32
      %dma_start3A_149 = arith.constant 0 : i32
      %dma_start3A_150 = tpu.memref_slice %arg8[%run_scoped3A_65, %dma_start3A_148, %dma_start3A_149] : memref<2x64x128xf32, #tpu.memory_space<vmem>> -> memref<1x64x128xf32, #tpu.memory_space<vmem>>
      %dma_start3A_151 = tpu.memref_squeeze %dma_start3A_150 : memref<1x64x128xf32, #tpu.memory_space<vmem>> -> memref<64x128xf32, #tpu.memory_space<vmem>>
      %dma_start3A_152 = arith.constant 0 : i32
      %dma_start3A_153 = tpu.memref_slice %arg12[%add3A_64, %dma_start3A_152] : memref<10240x128xf32, #tpu.memory_space<vmem_shared>> -> memref<64x128xf32, #tpu.memory_space<vmem_shared>>
      %dma_start3A_154 = arith.constant 0 : i32
      %dma_start3A_155 = tpu.memref_slice %arg12[%add3A_64, %dma_start3A_154] : memref<10240x128xf32, #tpu.memory_space<vmem_shared>> -> memref<64x128xf32, #tpu.memory_space<vmem_shared>>
      %dma_start3A_156 = arith.constant 0 : i32
      %dma_start3A_157 = arith.constant 0 : i32
      %dma_start3A_158 = tpu.memref_slice %arg8[%run_scoped3A_65, %dma_start3A_156, %dma_start3A_157] : memref<2x64x128xf32, #tpu.memory_space<vmem>> -> memref<1x64x128xf32, #tpu.memory_space<vmem>>
      %dma_start3A_159 = tpu.memref_squeeze %dma_start3A_158 : memref<1x64x128xf32, #tpu.memory_space<vmem>> -> memref<64x128xf32, #tpu.memory_space<vmem>>
      tpu.enqueue_dma source(%dma_start3A_159 : memref<64x128xf32, #tpu.memory_space<vmem>>) target(%dma_start3A_155 : memref<64x128xf32, #tpu.memory_space<vmem_shared>>) target_semaphore(%run_scoped3A_147 : memref<!tpu.dma_semaphore, #tpu.memory_space<semaphore_mem>>)
      %dma_wait3A = arith.constant 0 : i32
      %dma_wait3A_160 = arith.constant 0 : i32
      %dma_wait3A_161 = tpu.memref_slice %arg8[%run_scoped3A_65, %dma_wait3A, %dma_wait3A_160] : memref<2x64x128xf32, #tpu.memory_space<vmem>> -> memref<1x64x128xf32, #tpu.memory_space<vmem>>
      %dma_wait3A_162 = tpu.memref_squeeze %dma_wait3A_161 : memref<1x64x128xf32, #tpu.memory_space<vmem>> -> memref<64x128xf32, #tpu.memory_space<vmem>>
      %dma_wait3A_163 = arith.constant 0 : i32
      %dma_wait3A_164 = tpu.memref_slice %arg12[%add3A_64, %dma_wait3A_163] : memref<10240x128xf32, #tpu.memory_space<vmem_shared>> -> memref<64x128xf32, #tpu.memory_space<vmem_shared>>
      %dma_wait3A_165 = arith.constant 0 : i32
      %dma_wait3A_166 = tpu.memref_slice %arg12[%add3A_64, %dma_wait3A_165] : memref<10240x128xf32, #tpu.memory_space<vmem_shared>> -> memref<64x128xf32, #tpu.memory_space<vmem_shared>>
      %dma_wait3A_167 = arith.constant 0 : i32
      %dma_wait3A_168 = arith.constant 0 : i32
      %dma_wait3A_169 = tpu.memref_slice %arg8[%run_scoped3A_65, %dma_wait3A_167, %dma_wait3A_168] : memref<2x64x128xf32, #tpu.memory_space<vmem>> -> memref<1x64x128xf32, #tpu.memory_space<vmem>>
      %dma_wait3A_170 = tpu.memref_squeeze %dma_wait3A_169 : memref<1x64x128xf32, #tpu.memory_space<vmem>> -> memref<64x128xf32, #tpu.memory_space<vmem>>
      tpu.wait_dma2 semaphore(%run_scoped3A_147 : memref<!tpu.dma_semaphore, #tpu.memory_space<semaphore_mem>>) src(%dma_wait3A_170 : memref<64x128xf32, #tpu.memory_space<vmem>>) dst(%dma_wait3A_166 : memref<64x128xf32, #tpu.memory_space<vmem_shared>>)
      tpu.yield
    }) : () -> ()
    %add3A_66 = arith.constant 512 : i32
    %add3A_67 = arith.addi %mul3A_42, %add3A_66 : i32
    %run_scoped3A_68 = arith.constant 0 : i32
    "tpu.region"() ({
      %run_scoped3A_147 = tpu.sem_alloc : memref<!tpu.dma_semaphore, #tpu.memory_space<semaphore_mem>>
      %dma_start3A_148 = arith.constant 0 : i32
      %dma_start3A_149 = arith.constant 0 : i32
      %dma_start3A_150 = tpu.memref_slice %arg8[%run_scoped3A_68, %dma_start3A_148, %dma_start3A_149] : memref<2x64x128xf32, #tpu.memory_space<vmem>> -> memref<1x64x128xf32, #tpu.memory_space<vmem>>
      %dma_start3A_151 = tpu.memref_squeeze %dma_start3A_150 : memref<1x64x128xf32, #tpu.memory_space<vmem>> -> memref<64x128xf32, #tpu.memory_space<vmem>>
      %dma_start3A_152 = arith.constant 0 : i32
      %dma_start3A_153 = tpu.memref_slice %arg12[%add3A_67, %dma_start3A_152] : memref<10240x128xf32, #tpu.memory_space<vmem_shared>> -> memref<64x128xf32, #tpu.memory_space<vmem_shared>>
      %dma_start3A_154 = arith.constant 0 : i32
      %dma_start3A_155 = tpu.memref_slice %arg12[%add3A_67, %dma_start3A_154] : memref<10240x128xf32, #tpu.memory_space<vmem_shared>> -> memref<64x128xf32, #tpu.memory_space<vmem_shared>>
      %dma_start3A_156 = arith.constant 0 : i32
      %dma_start3A_157 = arith.constant 0 : i32
      %dma_start3A_158 = tpu.memref_slice %arg8[%run_scoped3A_68, %dma_start3A_156, %dma_start3A_157] : memref<2x64x128xf32, #tpu.memory_space<vmem>> -> memref<1x64x128xf32, #tpu.memory_space<vmem>>
      %dma_start3A_159 = tpu.memref_squeeze %dma_start3A_158 : memref<1x64x128xf32, #tpu.memory_space<vmem>> -> memref<64x128xf32, #tpu.memory_space<vmem>>
      tpu.enqueue_dma source(%dma_start3A_159 : memref<64x128xf32, #tpu.memory_space<vmem>>) target(%dma_start3A_155 : memref<64x128xf32, #tpu.memory_space<vmem_shared>>) target_semaphore(%run_scoped3A_147 : memref<!tpu.dma_semaphore, #tpu.memory_space<semaphore_mem>>)
      %dma_wait3A = arith.constant 0 : i32
      %dma_wait3A_160 = arith.constant 0 : i32
      %dma_wait3A_161 = tpu.memref_slice %arg8[%run_scoped3A_68, %dma_wait3A, %dma_wait3A_160] : memref<2x64x128xf32, #tpu.memory_space<vmem>> -> memref<1x64x128xf32, #tpu.memory_space<vmem>>
      %dma_wait3A_162 = tpu.memref_squeeze %dma_wait3A_161 : memref<1x64x128xf32, #tpu.memory_space<vmem>> -> memref<64x128xf32, #tpu.memory_space<vmem>>
      %dma_wait3A_163 = arith.constant 0 : i32
      %dma_wait3A_164 = tpu.memref_slice %arg12[%add3A_67, %dma_wait3A_163] : memref<10240x128xf32, #tpu.memory_space<vmem_shared>> -> memref<64x128xf32, #tpu.memory_space<vmem_shared>>
      %dma_wait3A_165 = arith.constant 0 : i32
      %dma_wait3A_166 = tpu.memref_slice %arg12[%add3A_67, %dma_wait3A_165] : memref<10240x128xf32, #tpu.memory_space<vmem_shared>> -> memref<64x128xf32, #tpu.memory_space<vmem_shared>>
      %dma_wait3A_167 = arith.constant 0 : i32
      %dma_wait3A_168 = arith.constant 0 : i32
      %dma_wait3A_169 = tpu.memref_slice %arg8[%run_scoped3A_68, %dma_wait3A_167, %dma_wait3A_168] : memref<2x64x128xf32, #tpu.memory_space<vmem>> -> memref<1x64x128xf32, #tpu.memory_space<vmem>>
      %dma_wait3A_170 = tpu.memref_squeeze %dma_wait3A_169 : memref<1x64x128xf32, #tpu.memory_space<vmem>> -> memref<64x128xf32, #tpu.memory_space<vmem>>
      tpu.wait_dma2 semaphore(%run_scoped3A_147 : memref<!tpu.dma_semaphore, #tpu.memory_space<semaphore_mem>>) src(%dma_wait3A_170 : memref<64x128xf32, #tpu.memory_space<vmem>>) dst(%dma_wait3A_166 : memref<64x128xf32, #tpu.memory_space<vmem_shared>>)
      tpu.yield
    }) : () -> ()
    %add3A_69 = arith.constant 576 : i32
    %add3A_70 = arith.addi %mul3A_42, %add3A_69 : i32
    %run_scoped3A_71 = arith.constant 0 : i32
    "tpu.region"() ({
      %run_scoped3A_147 = tpu.sem_alloc : memref<!tpu.dma_semaphore, #tpu.memory_space<semaphore_mem>>
      %dma_start3A_148 = arith.constant 0 : i32
      %dma_start3A_149 = arith.constant 0 : i32
      %dma_start3A_150 = tpu.memref_slice %arg8[%run_scoped3A_71, %dma_start3A_148, %dma_start3A_149] : memref<2x64x128xf32, #tpu.memory_space<vmem>> -> memref<1x64x128xf32, #tpu.memory_space<vmem>>
      %dma_start3A_151 = tpu.memref_squeeze %dma_start3A_150 : memref<1x64x128xf32, #tpu.memory_space<vmem>> -> memref<64x128xf32, #tpu.memory_space<vmem>>
      %dma_start3A_152 = arith.constant 0 : i32
      %dma_start3A_153 = tpu.memref_slice %arg12[%add3A_70, %dma_start3A_152] : memref<10240x128xf32, #tpu.memory_space<vmem_shared>> -> memref<64x128xf32, #tpu.memory_space<vmem_shared>>
      %dma_start3A_154 = arith.constant 0 : i32
      %dma_start3A_155 = tpu.memref_slice %arg12[%add3A_70, %dma_start3A_154] : memref<10240x128xf32, #tpu.memory_space<vmem_shared>> -> memref<64x128xf32, #tpu.memory_space<vmem_shared>>
      %dma_start3A_156 = arith.constant 0 : i32
      %dma_start3A_157 = arith.constant 0 : i32
      %dma_start3A_158 = tpu.memref_slice %arg8[%run_scoped3A_71, %dma_start3A_156, %dma_start3A_157] : memref<2x64x128xf32, #tpu.memory_space<vmem>> -> memref<1x64x128xf32, #tpu.memory_space<vmem>>
      %dma_start3A_159 = tpu.memref_squeeze %dma_start3A_158 : memref<1x64x128xf32, #tpu.memory_space<vmem>> -> memref<64x128xf32, #tpu.memory_space<vmem>>
      tpu.enqueue_dma source(%dma_start3A_159 : memref<64x128xf32, #tpu.memory_space<vmem>>) target(%dma_start3A_155 : memref<64x128xf32, #tpu.memory_space<vmem_shared>>) target_semaphore(%run_scoped3A_147 : memref<!tpu.dma_semaphore, #tpu.memory_space<semaphore_mem>>)
      %dma_wait3A = arith.constant 0 : i32
      %dma_wait3A_160 = arith.constant 0 : i32
      %dma_wait3A_161 = tpu.memref_slice %arg8[%run_scoped3A_71, %dma_wait3A, %dma_wait3A_160] : memref<2x64x128xf32, #tpu.memory_space<vmem>> -> memref<1x64x128xf32, #tpu.memory_space<vmem>>
      %dma_wait3A_162 = tpu.memref_squeeze %dma_wait3A_161 : memref<1x64x128xf32, #tpu.memory_space<vmem>> -> memref<64x128xf32, #tpu.memory_space<vmem>>
      %dma_wait3A_163 = arith.constant 0 : i32
      %dma_wait3A_164 = tpu.memref_slice %arg12[%add3A_70, %dma_wait3A_163] : memref<10240x128xf32, #tpu.memory_space<vmem_shared>> -> memref<64x128xf32, #tpu.memory_space<vmem_shared>>
      %dma_wait3A_165 = arith.constant 0 : i32
      %dma_wait3A_166 = tpu.memref_slice %arg12[%add3A_70, %dma_wait3A_165] : memref<10240x128xf32, #tpu.memory_space<vmem_shared>> -> memref<64x128xf32, #tpu.memory_space<vmem_shared>>
      %dma_wait3A_167 = arith.constant 0 : i32
      %dma_wait3A_168 = arith.constant 0 : i32
      %dma_wait3A_169 = tpu.memref_slice %arg8[%run_scoped3A_71, %dma_wait3A_167, %dma_wait3A_168] : memref<2x64x128xf32, #tpu.memory_space<vmem>> -> memref<1x64x128xf32, #tpu.memory_space<vmem>>
      %dma_wait3A_170 = tpu.memref_squeeze %dma_wait3A_169 : memref<1x64x128xf32, #tpu.memory_space<vmem>> -> memref<64x128xf32, #tpu.memory_space<vmem>>
      tpu.wait_dma2 semaphore(%run_scoped3A_147 : memref<!tpu.dma_semaphore, #tpu.memory_space<semaphore_mem>>) src(%dma_wait3A_170 : memref<64x128xf32, #tpu.memory_space<vmem>>) dst(%dma_wait3A_166 : memref<64x128xf32, #tpu.memory_space<vmem_shared>>)
      tpu.yield
    }) : () -> ()
    %lt3A = arith.constant 10 : i32
    %lt3A_72 = arith.cmpi slt, %arg1, %lt3A : i32
    %convert_element_type3A = arith.extui %lt3A_72 : i1 to i32
    %cond3A = arith.constant 0 : i32
    %cond3A_73 = arith.cmpi ne, %convert_element_type3A, %cond3A : i32
    scf.if %cond3A_73 {
      %mul3A_147 = arith.constant 8 : i32
      %mul3A_148 = arith.muli %arg1, %mul3A_147 : i32
      %run_scoped3A_149 = arith.constant 0 : i32
      "tpu.region"() ({
        %run_scoped3A_150 = tpu.sem_alloc : memref<!tpu.dma_semaphore, #tpu.memory_space<semaphore_mem>>
        %dma_start3A_151 = arith.constant 0 : i32
        %dma_start3A_152 = arith.constant 0 : i32
        %dma_start3A_153 = tpu.memref_slice %arg8[%run_scoped3A_149, %dma_start3A_151, %dma_start3A_152] : memref<2x64x128xf32, #tpu.memory_space<vmem>> -> memref<1x64x128xf32, #tpu.memory_space<vmem>>
        %dma_start3A_154 = tpu.memref_squeeze %dma_start3A_153 : memref<1x64x128xf32, #tpu.memory_space<vmem>> -> memref<64x128xf32, #tpu.memory_space<vmem>>
        %dma_start3A_155 = arith.constant 0 : i32
        %dma_start3A_156 = arith.constant 0 : i32
        %dma_start3A_157 = tpu.memref_slice %dma_start3A_154[%dma_start3A_155, %dma_start3A_156] : memref<64x128xf32, #tpu.memory_space<vmem>> -> memref<8x128xf32, #tpu.memory_space<vmem>>
        %dma_start3A_158 = arith.constant 0 : i32
        %dma_start3A_159 = tpu.memref_slice %arg13[%mul3A_148, %dma_start3A_158] : memref<80x128xf32, #tpu.memory_space<vmem_shared>> -> memref<8x128xf32, #tpu.memory_space<vmem_shared>>
        %dma_start3A_160 = arith.constant 0 : i32
        %dma_start3A_161 = tpu.memref_slice %arg13[%mul3A_148, %dma_start3A_160] : memref<80x128xf32, #tpu.memory_space<vmem_shared>> -> memref<8x128xf32, #tpu.memory_space<vmem_shared>>
        %dma_start3A_162 = arith.constant 0 : i32
        %dma_start3A_163 = arith.constant 0 : i32
        %dma_start3A_164 = tpu.memref_slice %arg8[%run_scoped3A_149, %dma_start3A_162, %dma_start3A_163] : memref<2x64x128xf32, #tpu.memory_space<vmem>> -> memref<1x64x128xf32, #tpu.memory_space<vmem>>
        %dma_start3A_165 = tpu.memref_squeeze %dma_start3A_164 : memref<1x64x128xf32, #tpu.memory_space<vmem>> -> memref<64x128xf32, #tpu.memory_space<vmem>>
        %dma_start3A_166 = arith.constant 0 : i32
        %dma_start3A_167 = arith.constant 0 : i32
        %dma_start3A_168 = tpu.memref_slice %dma_start3A_165[%dma_start3A_166, %dma_start3A_167] : memref<64x128xf32, #tpu.memory_space<vmem>> -> memref<8x128xf32, #tpu.memory_space<vmem>>
        tpu.enqueue_dma source(%dma_start3A_168 : memref<8x128xf32, #tpu.memory_space<vmem>>) target(%dma_start3A_161 : memref<8x128xf32, #tpu.memory_space<vmem_shared>>) target_semaphore(%run_scoped3A_150 : memref<!tpu.dma_semaphore, #tpu.memory_space<semaphore_mem>>)
        %dma_wait3A = arith.constant 0 : i32
        %dma_wait3A_169 = arith.constant 0 : i32
        %dma_wait3A_170 = tpu.memref_slice %arg8[%run_scoped3A_149, %dma_wait3A, %dma_wait3A_169] : memref<2x64x128xf32, #tpu.memory_space<vmem>> -> memref<1x64x128xf32, #tpu.memory_space<vmem>>
        %dma_wait3A_171 = tpu.memref_squeeze %dma_wait3A_170 : memref<1x64x128xf32, #tpu.memory_space<vmem>> -> memref<64x128xf32, #tpu.memory_space<vmem>>
        %dma_wait3A_172 = arith.constant 0 : i32
        %dma_wait3A_173 = arith.constant 0 : i32
        %dma_wait3A_174 = tpu.memref_slice %dma_wait3A_171[%dma_wait3A_172, %dma_wait3A_173] : memref<64x128xf32, #tpu.memory_space<vmem>> -> memref<8x128xf32, #tpu.memory_space<vmem>>
        %dma_wait3A_175 = arith.constant 0 : i32
        %dma_wait3A_176 = tpu.memref_slice %arg13[%mul3A_148, %dma_wait3A_175] : memref<80x128xf32, #tpu.memory_space<vmem_shared>> -> memref<8x128xf32, #tpu.memory_space<vmem_shared>>
        %dma_wait3A_177 = arith.constant 0 : i32
        %dma_wait3A_178 = tpu.memref_slice %arg13[%mul3A_148, %dma_wait3A_177] : memref<80x128xf32, #tpu.memory_space<vmem_shared>> -> memref<8x128xf32, #tpu.memory_space<vmem_shared>>
        %dma_wait3A_179 = arith.constant 0 : i32
        %dma_wait3A_180 = arith.constant 0 : i32
        %dma_wait3A_181 = tpu.memref_slice %arg8[%run_scoped3A_149, %dma_wait3A_179, %dma_wait3A_180] : memref<2x64x128xf32, #tpu.memory_space<vmem>> -> memref<1x64x128xf32, #tpu.memory_space<vmem>>
        %dma_wait3A_182 = tpu.memref_squeeze %dma_wait3A_181 : memref<1x64x128xf32, #tpu.memory_space<vmem>> -> memref<64x128xf32, #tpu.memory_space<vmem>>
        %dma_wait3A_183 = arith.constant 0 : i32
        %dma_wait3A_184 = arith.constant 0 : i32
        %dma_wait3A_185 = tpu.memref_slice %dma_wait3A_182[%dma_wait3A_183, %dma_wait3A_184] : memref<64x128xf32, #tpu.memory_space<vmem>> -> memref<8x128xf32, #tpu.memory_space<vmem>>
        tpu.wait_dma2 semaphore(%run_scoped3A_150 : memref<!tpu.dma_semaphore, #tpu.memory_space<semaphore_mem>>) src(%dma_wait3A_185 : memref<8x128xf32, #tpu.memory_space<vmem>>) dst(%dma_wait3A_178 : memref<8x128xf32, #tpu.memory_space<vmem_shared>>)
        tpu.yield
      }) : () -> ()
    } else {
    }
    %barrier3A = arith.constant 0 : index
    tpu.barrier barrier_id(%barrier3A)
    %run_scoped3A_74 = arith.constant 0 : i32
    %run_scoped3A_75 = arith.constant 0 : i32
    "tpu.region"() ({
      %run_scoped3A_147 = tpu.sem_alloc : memref<!tpu.dma_semaphore, #tpu.memory_space<semaphore_mem>>
      %dma_start3A_148 = arith.constant 0 : i32
      %dma_start3A_149 = arith.constant 0 : i32
      %dma_start3A_150 = tpu.memref_slice %arg7[%run_scoped3A_75, %dma_start3A_148, %dma_start3A_149] : memref<2x2x64xi32, #tpu.memory_space<vmem>> -> memref<1x2x64xi32, #tpu.memory_space<vmem>>
      %dma_start3A_151 = tpu.memref_squeeze %dma_start3A_150 : memref<1x2x64xi32, #tpu.memory_space<vmem>> -> memref<2x64xi32, #tpu.memory_space<vmem>>
      %dma_start3A_152 = arith.constant 0 : i32
      %dma_start3A_153 = arith.constant 0 : i32
      %dma_start3A_154 = arith.constant 0 : i32
      %dma_start3A_155 = tpu.memref_slice %arg4[%add3A, %dma_start3A_152, %dma_start3A_153, %dma_start3A_154] : memref<32x158x2x64xi32, #tpu.memory_space<hbm>> -> memref<1x158x2x64xi32, #tpu.memory_space<hbm>>
      %dma_start3A_156 = tpu.memref_squeeze %dma_start3A_155 : memref<1x158x2x64xi32, #tpu.memory_space<hbm>> -> memref<158x2x64xi32, #tpu.memory_space<hbm>>
      %dma_start3A_157 = arith.constant 0 : i32
      %dma_start3A_158 = arith.constant 0 : i32
      %dma_start3A_159 = tpu.memref_slice %dma_start3A_156[%run_scoped3A_74, %dma_start3A_157, %dma_start3A_158] : memref<158x2x64xi32, #tpu.memory_space<hbm>> -> memref<1x2x64xi32, #tpu.memory_space<hbm>>
      %dma_start3A_160 = tpu.memref_squeeze %dma_start3A_159 : memref<1x2x64xi32, #tpu.memory_space<hbm>> -> memref<2x64xi32, #tpu.memory_space<hbm>>
      %dma_start3A_161 = arith.constant 0 : i32
      %dma_start3A_162 = arith.constant 0 : i32
      %dma_start3A_163 = tpu.memref_slice %arg7[%run_scoped3A_75, %dma_start3A_161, %dma_start3A_162] : memref<2x2x64xi32, #tpu.memory_space<vmem>> -> memref<1x2x64xi32, #tpu.memory_space<vmem>>
      %dma_start3A_164 = tpu.memref_squeeze %dma_start3A_163 : memref<1x2x64xi32, #tpu.memory_space<vmem>> -> memref<2x64xi32, #tpu.memory_space<vmem>>
      %dma_start3A_165 = arith.constant 0 : i32
      %dma_start3A_166 = arith.constant 0 : i32
      %dma_start3A_167 = arith.constant 0 : i32
      %dma_start3A_168 = tpu.memref_slice %arg4[%add3A, %dma_start3A_165, %dma_start3A_166, %dma_start3A_167] : memref<32x158x2x64xi32, #tpu.memory_space<hbm>> -> memref<1x158x2x64xi32, #tpu.memory_space<hbm>>
      %dma_start3A_169 = tpu.memref_squeeze %dma_start3A_168 : memref<1x158x2x64xi32, #tpu.memory_space<hbm>> -> memref<158x2x64xi32, #tpu.memory_space<hbm>>
      %dma_start3A_170 = arith.constant 0 : i32
      %dma_start3A_171 = arith.constant 0 : i32
      %dma_start3A_172 = tpu.memref_slice %dma_start3A_169[%run_scoped3A_74, %dma_start3A_170, %dma_start3A_171] : memref<158x2x64xi32, #tpu.memory_space<hbm>> -> memref<1x2x64xi32, #tpu.memory_space<hbm>>
      %dma_start3A_173 = tpu.memref_squeeze %dma_start3A_172 : memref<1x2x64xi32, #tpu.memory_space<hbm>> -> memref<2x64xi32, #tpu.memory_space<hbm>>
      tpu.enqueue_dma source(%dma_start3A_173 : memref<2x64xi32, #tpu.memory_space<hbm>>) target(%dma_start3A_164 : memref<2x64xi32, #tpu.memory_space<vmem>>) target_semaphore(%run_scoped3A_147 : memref<!tpu.dma_semaphore, #tpu.memory_space<semaphore_mem>>)
      %dma_wait3A = arith.constant 0 : i32
      %dma_wait3A_174 = arith.constant 0 : i32
      %dma_wait3A_175 = tpu.memref_slice %arg7[%run_scoped3A_75, %dma_wait3A, %dma_wait3A_174] : memref<2x2x64xi32, #tpu.memory_space<vmem>> -> memref<1x2x64xi32, #tpu.memory_space<vmem>>
      %dma_wait3A_176 = tpu.memref_squeeze %dma_wait3A_175 : memref<1x2x64xi32, #tpu.memory_space<vmem>> -> memref<2x64xi32, #tpu.memory_space<vmem>>
      %dma_wait3A_177 = arith.constant 0 : i32
      %dma_wait3A_178 = arith.constant 0 : i32
      %dma_wait3A_179 = arith.constant 0 : i32
      %dma_wait3A_180 = tpu.memref_slice %arg4[%add3A, %dma_wait3A_177, %dma_wait3A_178, %dma_wait3A_179] : memref<32x158x2x64xi32, #tpu.memory_space<hbm>> -> memref<1x158x2x64xi32, #tpu.memory_space<hbm>>
      %dma_wait3A_181 = tpu.memref_squeeze %dma_wait3A_180 : memref<1x158x2x64xi32, #tpu.memory_space<hbm>> -> memref<158x2x64xi32, #tpu.memory_space<hbm>>
      %dma_wait3A_182 = arith.constant 0 : i32
      %dma_wait3A_183 = arith.constant 0 : i32
      %dma_wait3A_184 = tpu.memref_slice %dma_wait3A_181[%run_scoped3A_74, %dma_wait3A_182, %dma_wait3A_183] : memref<158x2x64xi32, #tpu.memory_space<hbm>> -> memref<1x2x64xi32, #tpu.memory_space<hbm>>
      %dma_wait3A_185 = tpu.memref_squeeze %dma_wait3A_184 : memref<1x2x64xi32, #tpu.memory_space<hbm>> -> memref<2x64xi32, #tpu.memory_space<hbm>>
      %dma_wait3A_186 = arith.constant 0 : i32
      %dma_wait3A_187 = arith.constant 0 : i32
      %dma_wait3A_188 = tpu.memref_slice %arg7[%run_scoped3A_75, %dma_wait3A_186, %dma_wait3A_187] : memref<2x2x64xi32, #tpu.memory_space<vmem>> -> memref<1x2x64xi32, #tpu.memory_space<vmem>>
      %dma_wait3A_189 = tpu.memref_squeeze %dma_wait3A_188 : memref<1x2x64xi32, #tpu.memory_space<vmem>> -> memref<2x64xi32, #tpu.memory_space<vmem>>
      %dma_wait3A_190 = arith.constant 0 : i32
      %dma_wait3A_191 = arith.constant 0 : i32
      %dma_wait3A_192 = arith.constant 0 : i32
      %dma_wait3A_193 = tpu.memref_slice %arg4[%add3A, %dma_wait3A_190, %dma_wait3A_191, %dma_wait3A_192] : memref<32x158x2x64xi32, #tpu.memory_space<hbm>> -> memref<1x158x2x64xi32, #tpu.memory_space<hbm>>
      %dma_wait3A_194 = tpu.memref_squeeze %dma_wait3A_193 : memref<1x158x2x64xi32, #tpu.memory_space<hbm>> -> memref<158x2x64xi32, #tpu.memory_space<hbm>>
      %dma_wait3A_195 = arith.constant 0 : i32
      %dma_wait3A_196 = arith.constant 0 : i32
      %dma_wait3A_197 = tpu.memref_slice %dma_wait3A_194[%run_scoped3A_74, %dma_wait3A_195, %dma_wait3A_196] : memref<158x2x64xi32, #tpu.memory_space<hbm>> -> memref<1x2x64xi32, #tpu.memory_space<hbm>>
      %dma_wait3A_198 = tpu.memref_squeeze %dma_wait3A_197 : memref<1x2x64xi32, #tpu.memory_space<hbm>> -> memref<2x64xi32, #tpu.memory_space<hbm>>
      tpu.wait_dma2 semaphore(%run_scoped3A_147 : memref<!tpu.dma_semaphore, #tpu.memory_space<semaphore_mem>>) src(%dma_wait3A_198 : memref<2x64xi32, #tpu.memory_space<hbm>>) dst(%dma_wait3A_189 : memref<2x64xi32, #tpu.memory_space<vmem>>)
      tpu.yield
    }) : () -> ()
    %dma_start3A = arith.constant 0 : i32
    %dma_start3A_76 = arith.constant 0 : i32
    %dma_start3A_77 = arith.constant 0 : i32
    %dma_start3A_78 = arith.constant 0 : i32
    %dma_start3A_79 = arith.constant 0 : i32
    %dma_start3A_80 = arith.constant 0 : i32
    %dma_start3A_81 = tpu.memref_slice %arg8[%dma_start3A_77, %dma_start3A_79, %dma_start3A_80] : memref<2x64x128xf32, #tpu.memory_space<vmem>> -> memref<1x64x128xf32, #tpu.memory_space<vmem>>
    %dma_start3A_82 = tpu.memref_squeeze %dma_start3A_81 : memref<1x64x128xf32, #tpu.memory_space<vmem>> -> memref<64x128xf32, #tpu.memory_space<vmem>>
    %dma_start3A_83 = arith.constant 0 : i32
    %dma_start3A_84 = arith.constant 0 : i32
    %dma_start3A_85 = tpu.memref_slice %arg7[%dma_start3A, %dma_start3A_83, %dma_start3A_84] : memref<2x2x64xi32, #tpu.memory_space<vmem>> -> memref<1x2x64xi32, #tpu.memory_space<vmem>>
    %dma_start3A_86 = tpu.memref_squeeze %dma_start3A_85 : memref<1x2x64xi32, #tpu.memory_space<vmem>> -> memref<2x64xi32, #tpu.memory_space<vmem>>
    %dma_start3A_87 = arith.constant 0 : i32
    %dma_start3A_88 = tpu.memref_slice %dma_start3A_86[%dma_start3A_76, %dma_start3A_87] : memref<2x64xi32, #tpu.memory_space<vmem>> -> memref<1x64xi32, #tpu.memory_space<vmem>>
    %dma_start3A_89 = tpu.memref_squeeze %dma_start3A_88 : memref<1x64xi32, #tpu.memory_space<vmem>> -> memref<64xi32, #tpu.memory_space<vmem>>
    %dma_start3A_90 = arith.constant 0 : i32
    %dma_start3A_91 = arith.constant 0 : i32
    %dma_start3A_92 = tpu.memref_slice %arg2[%dma_start3A_90, %dma_start3A_91] : memref<10240x128xf32, #tpu.memory_space<hbm>> -> memref<10240x128xf32, #tpu.memory_space<hbm>>
    %dma_start3A_93 = tpu.memref_slice %arg14[%dma_start3A_78] : memref<2x!tpu.dma_semaphore, #tpu.memory_space<semaphore_mem>> -> memref<1x!tpu.dma_semaphore, #tpu.memory_space<semaphore_mem>>
    %dma_start3A_94 = tpu.memref_squeeze %dma_start3A_93 : memref<1x!tpu.dma_semaphore, #tpu.memory_space<semaphore_mem>> -> memref<!tpu.dma_semaphore, #tpu.memory_space<semaphore_mem>>
    tpu.enqueue_indirect_dma source(%dma_start3A_92 : memref<10240x128xf32, #tpu.memory_space<hbm>>) target(%dma_start3A_82 : memref<64x128xf32, #tpu.memory_space<vmem>>) offsets(%dma_start3A_89 : memref<64xi32, #tpu.memory_space<vmem>>) semaphore(%dma_start3A_94 : memref<!tpu.dma_semaphore, #tpu.memory_space<semaphore_mem>>)
    %scan3A_95 = arith.constant 0 : i32
    %scan3A_96 = arith.constant 0 : i32
    %scan3A_97 = arith.constant 158 : i32
    %scan3A_98 = arith.addi %scan3A_96, %scan3A_97 : i32
    %scan3A_99 = arith.constant 1 : i32
    scf.for %scan3A_147 = %scan3A_96 to %scan3A_98 step %scan3A_99  : i32 {
      %rem3A = arith.constant 2 : i32
      %rem3A_148 = arith.remsi %scan3A_147, %rem3A : i32
      %sub3A = arith.constant 1 : i32
      %sub3A_149 = arith.subi %sub3A, %rem3A_148 : i32
      %lt3A_150 = arith.constant 157 : i32
      %lt3A_151 = arith.cmpi slt, %scan3A_147, %lt3A_150 : i32
      %convert_element_type3A_152 = arith.extui %lt3A_151 : i1 to i32
      %cond3A_153 = arith.constant 0 : i32
      %cond3A_154 = arith.cmpi ne, %convert_element_type3A_152, %cond3A_153 : i32
      scf.if %cond3A_154 {
        %add3A_241 = arith.constant 1 : i32
        %add3A_242 = arith.addi %scan3A_147, %add3A_241 : i32
        %dma_start3A_243 = arith.constant 0 : i32
        %dma_start3A_244 = arith.constant 0 : i32
        %dma_start3A_245 = tpu.memref_slice %arg7[%sub3A_149, %dma_start3A_243, %dma_start3A_244] : memref<2x2x64xi32, #tpu.memory_space<vmem>> -> memref<1x2x64xi32, #tpu.memory_space<vmem>>
        %dma_start3A_246 = tpu.memref_squeeze %dma_start3A_245 : memref<1x2x64xi32, #tpu.memory_space<vmem>> -> memref<2x64xi32, #tpu.memory_space<vmem>>
        %dma_start3A_247 = arith.constant 0 : i32
        %dma_start3A_248 = arith.constant 0 : i32
        %dma_start3A_249 = arith.constant 0 : i32
        %dma_start3A_250 = tpu.memref_slice %arg4[%add3A, %dma_start3A_247, %dma_start3A_248, %dma_start3A_249] : memref<32x158x2x64xi32, #tpu.memory_space<hbm>> -> memref<1x158x2x64xi32, #tpu.memory_space<hbm>>
        %dma_start3A_251 = tpu.memref_squeeze %dma_start3A_250 : memref<1x158x2x64xi32, #tpu.memory_space<hbm>> -> memref<158x2x64xi32, #tpu.memory_space<hbm>>
        %dma_start3A_252 = arith.constant 0 : i32
        %dma_start3A_253 = arith.constant 0 : i32
        %dma_start3A_254 = tpu.memref_slice %dma_start3A_251[%add3A_242, %dma_start3A_252, %dma_start3A_253] : memref<158x2x64xi32, #tpu.memory_space<hbm>> -> memref<1x2x64xi32, #tpu.memory_space<hbm>>
        %dma_start3A_255 = tpu.memref_squeeze %dma_start3A_254 : memref<1x2x64xi32, #tpu.memory_space<hbm>> -> memref<2x64xi32, #tpu.memory_space<hbm>>
        %dma_start3A_256 = tpu.memref_slice %arg15[%sub3A_149] : memref<2x!tpu.dma_semaphore, #tpu.memory_space<semaphore_mem>> -> memref<1x!tpu.dma_semaphore, #tpu.memory_space<semaphore_mem>>
        %dma_start3A_257 = tpu.memref_squeeze %dma_start3A_256 : memref<1x!tpu.dma_semaphore, #tpu.memory_space<semaphore_mem>> -> memref<!tpu.dma_semaphore, #tpu.memory_space<semaphore_mem>>
        %dma_start3A_258 = arith.constant 0 : i32
        %dma_start3A_259 = arith.constant 0 : i32
        %dma_start3A_260 = tpu.memref_slice %arg7[%sub3A_149, %dma_start3A_258, %dma_start3A_259] : memref<2x2x64xi32, #tpu.memory_space<vmem>> -> memref<1x2x64xi32, #tpu.memory_space<vmem>>
        %dma_start3A_261 = tpu.memref_squeeze %dma_start3A_260 : memref<1x2x64xi32, #tpu.memory_space<vmem>> -> memref<2x64xi32, #tpu.memory_space<vmem>>
        %dma_start3A_262 = arith.constant 0 : i32
        %dma_start3A_263 = arith.constant 0 : i32
        %dma_start3A_264 = arith.constant 0 : i32
        %dma_start3A_265 = tpu.memref_slice %arg4[%add3A, %dma_start3A_262, %dma_start3A_263, %dma_start3A_264] : memref<32x158x2x64xi32, #tpu.memory_space<hbm>> -> memref<1x158x2x64xi32, #tpu.memory_space<hbm>>
        %dma_start3A_266 = tpu.memref_squeeze %dma_start3A_265 : memref<1x158x2x64xi32, #tpu.memory_space<hbm>> -> memref<158x2x64xi32, #tpu.memory_space<hbm>>
        %dma_start3A_267 = arith.constant 0 : i32
        %dma_start3A_268 = arith.constant 0 : i32
        %dma_start3A_269 = tpu.memref_slice %dma_start3A_266[%add3A_242, %dma_start3A_267, %dma_start3A_268] : memref<158x2x64xi32, #tpu.memory_space<hbm>> -> memref<1x2x64xi32, #tpu.memory_space<hbm>>
        %dma_start3A_270 = tpu.memref_squeeze %dma_start3A_269 : memref<1x2x64xi32, #tpu.memory_space<hbm>> -> memref<2x64xi32, #tpu.memory_space<hbm>>
        tpu.enqueue_dma source(%dma_start3A_270 : memref<2x64xi32, #tpu.memory_space<hbm>>) target(%dma_start3A_261 : memref<2x64xi32, #tpu.memory_space<vmem>>) target_semaphore(%dma_start3A_257 : memref<!tpu.dma_semaphore, #tpu.memory_space<semaphore_mem>>)
      } else {
      }
      %get3A = arith.constant 0 : i32
      %get3A_155 = arith.index_cast %rem3A_148 : i32 to index
      %get3A_156 = arith.index_cast %get3A : i32 to index
      %get3A_157 = arith.constant 0 : index
      %get3A_158 = tpu.vector_load %arg7[%get3A_155, %get3A_156, %get3A_157] {strides = array<i32>} : memref<2x2x64xi32, #tpu.memory_space<vmem>>, vector<16xi32>,
      %get3A_159 = arith.constant 1 : i32
      %get3A_160 = arith.index_cast %rem3A_148 : i32 to index
      %get3A_161 = arith.index_cast %get3A_159 : i32 to index
      %get3A_162 = arith.constant 0 : index
      %get3A_163 = tpu.vector_load %arg7[%get3A_160, %get3A_161, %get3A_162] {strides = array<i32>} : memref<2x2x64xi32, #tpu.memory_space<vmem>>, vector<16xi32>,
      %gather3A = tpu.vector_load_idx %arg9[%get3A_158] : memref<10240xf32, #tpu.memory_space<vmem>>[vector<16xi32>], vector<16xf32>,
      %shift_right_arithmetic3A = arith.constant 7 : i32
      %shift_right_arithmetic3A_164 = vector.broadcast %shift_right_arithmetic3A : i32 to vector<16xi32>
      %shift_right_arithmetic3A_165 = arith.shrsi %get3A_163, %shift_right_arithmetic3A_164 : vector<16xi32>
      %and3A = arith.constant 127 : i32
      %and3A_166 = vector.broadcast %and3A : i32 to vector<16xi32>
      %and3A_167 = arith.andi %get3A_163, %and3A_166 : vector<16xi32>
      tpu.vector_store_idx %arg10[%shift_right_arithmetic3A_165, %and3A_167], %gather3A {add = true} : memref<80x128xf32, #tpu.memory_space<vmem>>[vector<16xi32>, vector<16xi32>], vector<16xf32>,
      %get3A_168 = arith.constant 0 : i32
      %get3A_169 = arith.index_cast %rem3A_148 : i32 to index
      %get3A_170 = arith.index_cast %get3A_168 : i32 to index
      %get3A_171 = arith.constant 16 : index
      %get3A_172 = tpu.vector_load %arg7[%get3A_169, %get3A_170, %get3A_171] {strides = array<i32>} : memref<2x2x64xi32, #tpu.memory_space<vmem>>, vector<16xi32>,
      %get3A_173 = arith.constant 1 : i32
      %get3A_174 = arith.index_cast %rem3A_148 : i32 to index
      %get3A_175 = arith.index_cast %get3A_173 : i32 to index
      %get3A_176 = arith.constant 16 : index
      %get3A_177 = tpu.vector_load %arg7[%get3A_174, %get3A_175, %get3A_176] {strides = array<i32>} : memref<2x2x64xi32, #tpu.memory_space<vmem>>, vector<16xi32>,
      %gather3A_178 = tpu.vector_load_idx %arg9[%get3A_172] : memref<10240xf32, #tpu.memory_space<vmem>>[vector<16xi32>], vector<16xf32>,
      %shift_right_arithmetic3A_179 = arith.constant 7 : i32
      %shift_right_arithmetic3A_180 = vector.broadcast %shift_right_arithmetic3A_179 : i32 to vector<16xi32>
      %shift_right_arithmetic3A_181 = arith.shrsi %get3A_177, %shift_right_arithmetic3A_180 : vector<16xi32>
      %and3A_182 = arith.constant 127 : i32
      %and3A_183 = vector.broadcast %and3A_182 : i32 to vector<16xi32>
      %and3A_184 = arith.andi %get3A_177, %and3A_183 : vector<16xi32>
      tpu.vector_store_idx %arg10[%shift_right_arithmetic3A_181, %and3A_184], %gather3A_178 {add = true} : memref<80x128xf32, #tpu.memory_space<vmem>>[vector<16xi32>, vector<16xi32>], vector<16xf32>,
      %get3A_185 = arith.constant 0 : i32
      %get3A_186 = arith.index_cast %rem3A_148 : i32 to index
      %get3A_187 = arith.index_cast %get3A_185 : i32 to index
      %get3A_188 = arith.constant 32 : index
      %get3A_189 = tpu.vector_load %arg7[%get3A_186, %get3A_187, %get3A_188] {strides = array<i32>} : memref<2x2x64xi32, #tpu.memory_space<vmem>>, vector<16xi32>,
      %get3A_190 = arith.constant 1 : i32
      %get3A_191 = arith.index_cast %rem3A_148 : i32 to index
      %get3A_192 = arith.index_cast %get3A_190 : i32 to index
      %get3A_193 = arith.constant 32 : index
      %get3A_194 = tpu.vector_load %arg7[%get3A_191, %get3A_192, %get3A_193] {strides = array<i32>} : memref<2x2x64xi32, #tpu.memory_space<vmem>>, vector<16xi32>,
      %gather3A_195 = tpu.vector_load_idx %arg9[%get3A_189] : memref<10240xf32, #tpu.memory_space<vmem>>[vector<16xi32>], vector<16xf32>,
      %shift_right_arithmetic3A_196 = arith.constant 7 : i32
      %shift_right_arithmetic3A_197 = vector.broadcast %shift_right_arithmetic3A_196 : i32 to vector<16xi32>
      %shift_right_arithmetic3A_198 = arith.shrsi %get3A_194, %shift_right_arithmetic3A_197 : vector<16xi32>
      %and3A_199 = arith.constant 127 : i32
      %and3A_200 = vector.broadcast %and3A_199 : i32 to vector<16xi32>
      %and3A_201 = arith.andi %get3A_194, %and3A_200 : vector<16xi32>
      tpu.vector_store_idx %arg10[%shift_right_arithmetic3A_198, %and3A_201], %gather3A_195 {add = true} : memref<80x128xf32, #tpu.memory_space<vmem>>[vector<16xi32>, vector<16xi32>], vector<16xf32>,
      %get3A_202 = arith.constant 0 : i32
      %get3A_203 = arith.index_cast %rem3A_148 : i32 to index
      %get3A_204 = arith.index_cast %get3A_202 : i32 to index
      %get3A_205 = arith.constant 48 : index
      %get3A_206 = tpu.vector_load %arg7[%get3A_203, %get3A_204, %get3A_205] {strides = array<i32>} : memref<2x2x64xi32, #tpu.memory_space<vmem>>, vector<16xi32>,
      %get3A_207 = arith.constant 1 : i32
      %get3A_208 = arith.index_cast %rem3A_148 : i32 to index
      %get3A_209 = arith.index_cast %get3A_207 : i32 to index
      %get3A_210 = arith.constant 48 : index
      %get3A_211 = tpu.vector_load %arg7[%get3A_208, %get3A_209, %get3A_210] {strides = array<i32>} : memref<2x2x64xi32, #tpu.memory_space<vmem>>, vector<16xi32>,
      %gather3A_212 = tpu.vector_load_idx %arg9[%get3A_206] : memref<10240xf32, #tpu.memory_space<vmem>>[vector<16xi32>], vector<16xf32>,
      %shift_right_arithmetic3A_213 = arith.constant 7 : i32
      %shift_right_arithmetic3A_214 = vector.broadcast %shift_right_arithmetic3A_213 : i32 to vector<16xi32>
      %shift_right_arithmetic3A_215 = arith.shrsi %get3A_211, %shift_right_arithmetic3A_214 : vector<16xi32>
      %and3A_216 = arith.constant 127 : i32
      %and3A_217 = vector.broadcast %and3A_216 : i32 to vector<16xi32>
      %and3A_218 = arith.andi %get3A_211, %and3A_217 : vector<16xi32>
      tpu.vector_store_idx %arg10[%shift_right_arithmetic3A_215, %and3A_218], %gather3A_212 {add = true} : memref<80x128xf32, #tpu.memory_space<vmem>>[vector<16xi32>, vector<16xi32>], vector<16xf32>,
      %dma_wait3A = arith.constant 0 : i32
      %dma_wait3A_219 = arith.constant 0 : i32
      %dma_wait3A_220 = arith.constant 0 : i32
      %dma_wait3A_221 = tpu.memref_slice %arg8[%rem3A_148, %dma_wait3A_219, %dma_wait3A_220] : memref<2x64x128xf32, #tpu.memory_space<vmem>> -> memref<1x64x128xf32, #tpu.memory_space<vmem>>
      %dma_wait3A_222 = tpu.memref_squeeze %dma_wait3A_221 : memref<1x64x128xf32, #tpu.memory_space<vmem>> -> memref<64x128xf32, #tpu.memory_space<vmem>>
      %dma_wait3A_223 = arith.constant 0 : i32
      %dma_wait3A_224 = arith.constant 0 : i32
      %dma_wait3A_225 = tpu.memref_slice %arg7[%rem3A_148, %dma_wait3A_223, %dma_wait3A_224] : memref<2x2x64xi32, #tpu.memory_space<vmem>> -> memref<1x2x64xi32, #tpu.memory_space<vmem>>
      %dma_wait3A_226 = tpu.memref_squeeze %dma_wait3A_225 : memref<1x2x64xi32, #tpu.memory_space<vmem>> -> memref<2x64xi32, #tpu.memory_space<vmem>>
      %dma_wait3A_227 = arith.constant 0 : i32
      %dma_wait3A_228 = tpu.memref_slice %dma_wait3A_226[%dma_wait3A, %dma_wait3A_227] : memref<2x64xi32, #tpu.memory_space<vmem>> -> memref<1x64xi32, #tpu.memory_space<vmem>>
      %dma_wait3A_229 = tpu.memref_squeeze %dma_wait3A_228 : memref<1x64xi32, #tpu.memory_space<vmem>> -> memref<64xi32, #tpu.memory_space<vmem>>
      %dma_wait3A_230 = arith.constant 0 : i32
      %dma_wait3A_231 = arith.constant 0 : i32
      %dma_wait3A_232 = tpu.memref_slice %arg2[%dma_wait3A_230, %dma_wait3A_231] : memref<10240x128xf32, #tpu.memory_space<hbm>> -> memref<10240x128xf32, #tpu.memory_space<hbm>>
      %dma_wait3A_233 = tpu.memref_slice %arg14[%rem3A_148] : memref<2x!tpu.dma_semaphore, #tpu.memory_space<semaphore_mem>> -> memref<1x!tpu.dma_semaphore, #tpu.memory_space<semaphore_mem>>
      %dma_wait3A_234 = tpu.memref_squeeze %dma_wait3A_233 : memref<1x!tpu.dma_semaphore, #tpu.memory_space<semaphore_mem>> -> memref<!tpu.dma_semaphore, #tpu.memory_space<semaphore_mem>>
      tpu.wait_indirect_dma semaphore(%dma_wait3A_234 : memref<!tpu.dma_semaphore, #tpu.memory_space<semaphore_mem>>) src(%dma_wait3A_232 : memref<10240x128xf32, #tpu.memory_space<hbm>>) dst(%dma_wait3A_222 : memref<64x128xf32, #tpu.memory_space<vmem>>)
      %run_scoped3A_235 = arith.constant 1 : i32
      "tpu.region"() ({
        %run_scoped3A_241 = tpu.sem_alloc : memref<!tpu.dma_semaphore, #tpu.memory_space<semaphore_mem>>
        %dma_start3A_242 = arith.constant 0 : i32
        %dma_start3A_243 = arith.constant 0 : i32
        %dma_start3A_244 = tpu.memref_slice %arg8[%rem3A_148, %dma_start3A_242, %dma_start3A_243] : memref<2x64x128xf32, #tpu.memory_space<vmem>> -> memref<1x64x128xf32, #tpu.memory_space<vmem>>
        %dma_start3A_245 = tpu.memref_squeeze %dma_start3A_244 : memref<1x64x128xf32, #tpu.memory_space<vmem>> -> memref<64x128xf32, #tpu.memory_space<vmem>>
        %dma_start3A_246 = arith.constant 0 : i32
        %dma_start3A_247 = arith.constant 0 : i32
        %dma_start3A_248 = tpu.memref_slice %arg7[%rem3A_148, %dma_start3A_246, %dma_start3A_247] : memref<2x2x64xi32, #tpu.memory_space<vmem>> -> memref<1x2x64xi32, #tpu.memory_space<vmem>>
        %dma_start3A_249 = tpu.memref_squeeze %dma_start3A_248 : memref<1x2x64xi32, #tpu.memory_space<vmem>> -> memref<2x64xi32, #tpu.memory_space<vmem>>
        %dma_start3A_250 = arith.constant 0 : i32
        %dma_start3A_251 = tpu.memref_slice %dma_start3A_249[%run_scoped3A_235, %dma_start3A_250] : memref<2x64xi32, #tpu.memory_space<vmem>> -> memref<1x64xi32, #tpu.memory_space<vmem>>
        %dma_start3A_252 = tpu.memref_squeeze %dma_start3A_251 : memref<1x64xi32, #tpu.memory_space<vmem>> -> memref<64xi32, #tpu.memory_space<vmem>>
        %dma_start3A_253 = arith.constant 0 : i32
        %dma_start3A_254 = arith.constant 0 : i32
        %dma_start3A_255 = tpu.memref_slice %arg12[%dma_start3A_253, %dma_start3A_254] : memref<10240x128xf32, #tpu.memory_space<vmem_shared>> -> memref<10240x128xf32, #tpu.memory_space<vmem_shared>>
        tpu.enqueue_indirect_dma source(%dma_start3A_245 : memref<64x128xf32, #tpu.memory_space<vmem>>) target(%dma_start3A_255 : memref<10240x128xf32, #tpu.memory_space<vmem_shared>>) offsets(%dma_start3A_252 : memref<64xi32, #tpu.memory_space<vmem>>) semaphore(%run_scoped3A_241 : memref<!tpu.dma_semaphore, #tpu.memory_space<semaphore_mem>>) {add = true}
        %dma_wait3A_256 = arith.constant 0 : i32
        %dma_wait3A_257 = arith.constant 0 : i32
        %dma_wait3A_258 = tpu.memref_slice %arg8[%rem3A_148, %dma_wait3A_256, %dma_wait3A_257] : memref<2x64x128xf32, #tpu.memory_space<vmem>> -> memref<1x64x128xf32, #tpu.memory_space<vmem>>
        %dma_wait3A_259 = tpu.memref_squeeze %dma_wait3A_258 : memref<1x64x128xf32, #tpu.memory_space<vmem>> -> memref<64x128xf32, #tpu.memory_space<vmem>>
        %dma_wait3A_260 = arith.constant 0 : i32
        %dma_wait3A_261 = arith.constant 0 : i32
        %dma_wait3A_262 = tpu.memref_slice %arg7[%rem3A_148, %dma_wait3A_260, %dma_wait3A_261] : memref<2x2x64xi32, #tpu.memory_space<vmem>> -> memref<1x2x64xi32, #tpu.memory_space<vmem>>
        %dma_wait3A_263 = tpu.memref_squeeze %dma_wait3A_262 : memref<1x2x64xi32, #tpu.memory_space<vmem>> -> memref<2x64xi32, #tpu.memory_space<vmem>>
        %dma_wait3A_264 = arith.constant 0 : i32
        %dma_wait3A_265 = tpu.memref_slice %dma_wait3A_263[%run_scoped3A_235, %dma_wait3A_264] : memref<2x64xi32, #tpu.memory_space<vmem>> -> memref<1x64xi32, #tpu.memory_space<vmem>>
        %dma_wait3A_266 = tpu.memref_squeeze %dma_wait3A_265 : memref<1x64xi32, #tpu.memory_space<vmem>> -> memref<64xi32, #tpu.memory_space<vmem>>
        %dma_wait3A_267 = arith.constant 0 : i32
        %dma_wait3A_268 = arith.constant 0 : i32
        %dma_wait3A_269 = tpu.memref_slice %arg12[%dma_wait3A_267, %dma_wait3A_268] : memref<10240x128xf32, #tpu.memory_space<vmem_shared>> -> memref<10240x128xf32, #tpu.memory_space<vmem_shared>>
        tpu.wait_indirect_dma semaphore(%run_scoped3A_241 : memref<!tpu.dma_semaphore, #tpu.memory_space<semaphore_mem>>) src(%dma_wait3A_259 : memref<64x128xf32, #tpu.memory_space<vmem>>) dst(%dma_wait3A_269 : memref<10240x128xf32, #tpu.memory_space<vmem_shared>>)
        tpu.yield
      }) : () -> ()
      %lt3A_236 = arith.constant 157 : i32
      %lt3A_237 = arith.cmpi slt, %scan3A_147, %lt3A_236 : i32
      %convert_element_type3A_238 = arith.extui %lt3A_237 : i1 to i32
      %cond3A_239 = arith.constant 0 : i32
      %cond3A_240 = arith.cmpi ne, %convert_element_type3A_238, %cond3A_239 : i32
      scf.if %cond3A_240 {
        %add3A_241 = arith.constant 1 : i32
        %add3A_242 = arith.addi %scan3A_147, %add3A_241 : i32
        %dma_wait3A_243 = arith.constant 0 : i32
        %dma_wait3A_244 = arith.constant 0 : i32
        %dma_wait3A_245 = tpu.memref_slice %arg7[%sub3A_149, %dma_wait3A_243, %dma_wait3A_244] : memref<2x2x64xi32, #tpu.memory_space<vmem>> -> memref<1x2x64xi32, #tpu.memory_space<vmem>>
        %dma_wait3A_246 = tpu.memref_squeeze %dma_wait3A_245 : memref<1x2x64xi32, #tpu.memory_space<vmem>> -> memref<2x64xi32, #tpu.memory_space<vmem>>
        %dma_wait3A_247 = arith.constant 0 : i32
        %dma_wait3A_248 = arith.constant 0 : i32
        %dma_wait3A_249 = arith.constant 0 : i32
        %dma_wait3A_250 = tpu.memref_slice %arg4[%add3A, %dma_wait3A_247, %dma_wait3A_248, %dma_wait3A_249] : memref<32x158x2x64xi32, #tpu.memory_space<hbm>> -> memref<1x158x2x64xi32, #tpu.memory_space<hbm>>
        %dma_wait3A_251 = tpu.memref_squeeze %dma_wait3A_250 : memref<1x158x2x64xi32, #tpu.memory_space<hbm>> -> memref<158x2x64xi32, #tpu.memory_space<hbm>>
        %dma_wait3A_252 = arith.constant 0 : i32
        %dma_wait3A_253 = arith.constant 0 : i32
        %dma_wait3A_254 = tpu.memref_slice %dma_wait3A_251[%add3A_242, %dma_wait3A_252, %dma_wait3A_253] : memref<158x2x64xi32, #tpu.memory_space<hbm>> -> memref<1x2x64xi32, #tpu.memory_space<hbm>>
        %dma_wait3A_255 = tpu.memref_squeeze %dma_wait3A_254 : memref<1x2x64xi32, #tpu.memory_space<hbm>> -> memref<2x64xi32, #tpu.memory_space<hbm>>
        %dma_wait3A_256 = tpu.memref_slice %arg15[%sub3A_149] : memref<2x!tpu.dma_semaphore, #tpu.memory_space<semaphore_mem>> -> memref<1x!tpu.dma_semaphore, #tpu.memory_space<semaphore_mem>>
        %dma_wait3A_257 = tpu.memref_squeeze %dma_wait3A_256 : memref<1x!tpu.dma_semaphore, #tpu.memory_space<semaphore_mem>> -> memref<!tpu.dma_semaphore, #tpu.memory_space<semaphore_mem>>
        %dma_wait3A_258 = arith.constant 0 : i32
        %dma_wait3A_259 = arith.constant 0 : i32
        %dma_wait3A_260 = tpu.memref_slice %arg7[%sub3A_149, %dma_wait3A_258, %dma_wait3A_259] : memref<2x2x64xi32, #tpu.memory_space<vmem>> -> memref<1x2x64xi32, #tpu.memory_space<vmem>>
        %dma_wait3A_261 = tpu.memref_squeeze %dma_wait3A_260 : memref<1x2x64xi32, #tpu.memory_space<vmem>> -> memref<2x64xi32, #tpu.memory_space<vmem>>
        %dma_wait3A_262 = arith.constant 0 : i32
        %dma_wait3A_263 = arith.constant 0 : i32
        %dma_wait3A_264 = arith.constant 0 : i32
        %dma_wait3A_265 = tpu.memref_slice %arg4[%add3A, %dma_wait3A_262, %dma_wait3A_263, %dma_wait3A_264] : memref<32x158x2x64xi32, #tpu.memory_space<hbm>> -> memref<1x158x2x64xi32, #tpu.memory_space<hbm>>
        %dma_wait3A_266 = tpu.memref_squeeze %dma_wait3A_265 : memref<1x158x2x64xi32, #tpu.memory_space<hbm>> -> memref<158x2x64xi32, #tpu.memory_space<hbm>>
        %dma_wait3A_267 = arith.constant 0 : i32
        %dma_wait3A_268 = arith.constant 0 : i32
        %dma_wait3A_269 = tpu.memref_slice %dma_wait3A_266[%add3A_242, %dma_wait3A_267, %dma_wait3A_268] : memref<158x2x64xi32, #tpu.memory_space<hbm>> -> memref<1x2x64xi32, #tpu.memory_space<hbm>>
        %dma_wait3A_270 = tpu.memref_squeeze %dma_wait3A_269 : memref<1x2x64xi32, #tpu.memory_space<hbm>> -> memref<2x64xi32, #tpu.memory_space<hbm>>
        tpu.wait_dma2 semaphore(%dma_wait3A_257 : memref<!tpu.dma_semaphore, #tpu.memory_space<semaphore_mem>>) src(%dma_wait3A_270 : memref<2x64xi32, #tpu.memory_space<hbm>>) dst(%dma_wait3A_261 : memref<2x64xi32, #tpu.memory_space<vmem>>)
        %dma_start3A_271 = arith.constant 0 : i32
        %dma_start3A_272 = arith.constant 0 : i32
        %dma_start3A_273 = arith.constant 0 : i32
        %dma_start3A_274 = tpu.memref_slice %arg8[%sub3A_149, %dma_start3A_272, %dma_start3A_273] : memref<2x64x128xf32, #tpu.memory_space<vmem>> -> memref<1x64x128xf32, #tpu.memory_space<vmem>>
        %dma_start3A_275 = tpu.memref_squeeze %dma_start3A_274 : memref<1x64x128xf32, #tpu.memory_space<vmem>> -> memref<64x128xf32, #tpu.memory_space<vmem>>
        %dma_start3A_276 = arith.constant 0 : i32
        %dma_start3A_277 = arith.constant 0 : i32
        %dma_start3A_278 = tpu.memref_slice %arg7[%sub3A_149, %dma_start3A_276, %dma_start3A_277] : memref<2x2x64xi32, #tpu.memory_space<vmem>> -> memref<1x2x64xi32, #tpu.memory_space<vmem>>
        %dma_start3A_279 = tpu.memref_squeeze %dma_start3A_278 : memref<1x2x64xi32, #tpu.memory_space<vmem>> -> memref<2x64xi32, #tpu.memory_space<vmem>>
        %dma_start3A_280 = arith.constant 0 : i32
        %dma_start3A_281 = tpu.memref_slice %dma_start3A_279[%dma_start3A_271, %dma_start3A_280] : memref<2x64xi32, #tpu.memory_space<vmem>> -> memref<1x64xi32, #tpu.memory_space<vmem>>
        %dma_start3A_282 = tpu.memref_squeeze %dma_start3A_281 : memref<1x64xi32, #tpu.memory_space<vmem>> -> memref<64xi32, #tpu.memory_space<vmem>>
        %dma_start3A_283 = arith.constant 0 : i32
        %dma_start3A_284 = arith.constant 0 : i32
        %dma_start3A_285 = tpu.memref_slice %arg2[%dma_start3A_283, %dma_start3A_284] : memref<10240x128xf32, #tpu.memory_space<hbm>> -> memref<10240x128xf32, #tpu.memory_space<hbm>>
        %dma_start3A_286 = tpu.memref_slice %arg14[%sub3A_149] : memref<2x!tpu.dma_semaphore, #tpu.memory_space<semaphore_mem>> -> memref<1x!tpu.dma_semaphore, #tpu.memory_space<semaphore_mem>>
        %dma_start3A_287 = tpu.memref_squeeze %dma_start3A_286 : memref<1x!tpu.dma_semaphore, #tpu.memory_space<semaphore_mem>> -> memref<!tpu.dma_semaphore, #tpu.memory_space<semaphore_mem>>
        tpu.enqueue_indirect_dma source(%dma_start3A_285 : memref<10240x128xf32, #tpu.memory_space<hbm>>) target(%dma_start3A_275 : memref<64x128xf32, #tpu.memory_space<vmem>>) offsets(%dma_start3A_282 : memref<64xi32, #tpu.memory_space<vmem>>) semaphore(%dma_start3A_287 : memref<!tpu.dma_semaphore, #tpu.memory_space<semaphore_mem>>)
      } else {
      }
    }
    %scan3A_100 = arith.constant 158 : i32
    "tpu.region"() ({
      %run_scoped3A_147 = tpu.sem_alloc : memref<!tpu.dma_semaphore, #tpu.memory_space<semaphore_mem>>
      %dma_start3A_148 = arith.constant 0 : i32
      %dma_start3A_149 = arith.constant 0 : i32
      %dma_start3A_150 = tpu.memref_slice %arg13[%dma_start3A_148, %dma_start3A_149] : memref<80x128xf32, #tpu.memory_space<vmem_shared>> -> memref<80x128xf32, #tpu.memory_space<vmem_shared>>
      tpu.enqueue_indirect_dma source(%arg10 : memref<80x128xf32, #tpu.memory_space<vmem>>) target(%dma_start3A_150 : memref<80x128xf32, #tpu.memory_space<vmem_shared>>) offsets(%arg11 : memref<80xi32, #tpu.memory_space<vmem>>) semaphore(%run_scoped3A_147 : memref<!tpu.dma_semaphore, #tpu.memory_space<semaphore_mem>>) {add = true}
      %dma_wait3A = arith.constant 0 : i32
      %dma_wait3A_151 = arith.constant 0 : i32
      %dma_wait3A_152 = tpu.memref_slice %arg13[%dma_wait3A, %dma_wait3A_151] : memref<80x128xf32, #tpu.memory_space<vmem_shared>> -> memref<80x128xf32, #tpu.memory_space<vmem_shared>>
      tpu.wait_indirect_dma semaphore(%run_scoped3A_147 : memref<!tpu.dma_semaphore, #tpu.memory_space<semaphore_mem>>) src(%arg10 : memref<80x128xf32, #tpu.memory_space<vmem>>) dst(%dma_wait3A_152 : memref<80x128xf32, #tpu.memory_space<vmem_shared>>)
      tpu.yield
    }) : () -> ()
    %barrier3A_101 = arith.constant 0 : index
    tpu.barrier barrier_id(%barrier3A_101)
    %add3A_102 = arith.constant 0 : i32
    %add3A_103 = arith.addi %mul3A_42, %add3A_102 : i32
    %add3A_104 = arith.constant 0 : i32
    %add3A_105 = arith.addi %mul3A_42, %add3A_104 : i32
    "tpu.region"() ({
      %run_scoped3A_147 = tpu.sem_alloc : memref<!tpu.dma_semaphore, #tpu.memory_space<semaphore_mem>>
      %dma_start3A_148 = arith.constant 0 : i32
      %dma_start3A_149 = arith.constant 0 : i32
      %dma_start3A_150 = tpu.memref_slice %arg5[%arg0, %dma_start3A_148, %dma_start3A_149] : memref<2x10240x128xf32, #tpu.memory_space<hbm>> -> memref<1x10240x128xf32, #tpu.memory_space<hbm>>
      %dma_start3A_151 = tpu.memref_squeeze %dma_start3A_150 : memref<1x10240x128xf32, #tpu.memory_space<hbm>> -> memref<10240x128xf32, #tpu.memory_space<hbm>>
      %dma_start3A_152 = arith.constant 0 : i32
      %dma_start3A_153 = tpu.memref_slice %dma_start3A_151[%add3A_105, %dma_start3A_152] : memref<10240x128xf32, #tpu.memory_space<hbm>> -> memref<64x128xf32, #tpu.memory_space<hbm>>
      %dma_start3A_154 = arith.constant 0 : i32
      %dma_start3A_155 = tpu.memref_slice %arg12[%add3A_103, %dma_start3A_154] : memref<10240x128xf32, #tpu.memory_space<vmem_shared>> -> memref<64x128xf32, #tpu.memory_space<vmem_shared>>
      tpu.enqueue_dma source(%dma_start3A_155 : memref<64x128xf32, #tpu.memory_space<vmem_shared>>) target(%dma_start3A_153 : memref<64x128xf32, #tpu.memory_space<hbm>>) target_semaphore(%run_scoped3A_147 : memref<!tpu.dma_semaphore, #tpu.memory_space<semaphore_mem>>)
      %dma_wait3A = arith.constant 0 : i32
      %dma_wait3A_156 = arith.constant 0 : i32
      %dma_wait3A_157 = tpu.memref_slice %arg5[%arg0, %dma_wait3A, %dma_wait3A_156] : memref<2x10240x128xf32, #tpu.memory_space<hbm>> -> memref<1x10240x128xf32, #tpu.memory_space<hbm>>
      %dma_wait3A_158 = tpu.memref_squeeze %dma_wait3A_157 : memref<1x10240x128xf32, #tpu.memory_space<hbm>> -> memref<10240x128xf32, #tpu.memory_space<hbm>>
      %dma_wait3A_159 = arith.constant 0 : i32
      %dma_wait3A_160 = tpu.memref_slice %dma_wait3A_158[%add3A_105, %dma_wait3A_159] : memref<10240x128xf32, #tpu.memory_space<hbm>> -> memref<64x128xf32, #tpu.memory_space<hbm>>
      %dma_wait3A_161 = arith.constant 0 : i32
      %dma_wait3A_162 = tpu.memref_slice %arg12[%add3A_103, %dma_wait3A_161] : memref<10240x128xf32, #tpu.memory_space<vmem_shared>> -> memref<64x128xf32, #tpu.memory_space<vmem_shared>>
      tpu.wait_dma2 semaphore(%run_scoped3A_147 : memref<!tpu.dma_semaphore, #tpu.memory_space<semaphore_mem>>) src(%dma_wait3A_162 : memref<64x128xf32, #tpu.memory_space<vmem_shared>>) dst(%dma_wait3A_160 : memref<64x128xf32, #tpu.memory_space<hbm>>)
      tpu.yield
    }) : () -> ()
    %add3A_106 = arith.constant 64 : i32
    %add3A_107 = arith.addi %mul3A_42, %add3A_106 : i32
    %add3A_108 = arith.constant 64 : i32
    %add3A_109 = arith.addi %mul3A_42, %add3A_108 : i32
    "tpu.region"() ({
      %run_scoped3A_147 = tpu.sem_alloc : memref<!tpu.dma_semaphore, #tpu.memory_space<semaphore_mem>>
      %dma_start3A_148 = arith.constant 0 : i32
      %dma_start3A_149 = arith.constant 0 : i32
      %dma_start3A_150 = tpu.memref_slice %arg5[%arg0, %dma_start3A_148, %dma_start3A_149] : memref<2x10240x128xf32, #tpu.memory_space<hbm>> -> memref<1x10240x128xf32, #tpu.memory_space<hbm>>
      %dma_start3A_151 = tpu.memref_squeeze %dma_start3A_150 : memref<1x10240x128xf32, #tpu.memory_space<hbm>> -> memref<10240x128xf32, #tpu.memory_space<hbm>>
      %dma_start3A_152 = arith.constant 0 : i32
      %dma_start3A_153 = tpu.memref_slice %dma_start3A_151[%add3A_109, %dma_start3A_152] : memref<10240x128xf32, #tpu.memory_space<hbm>> -> memref<64x128xf32, #tpu.memory_space<hbm>>
      %dma_start3A_154 = arith.constant 0 : i32
      %dma_start3A_155 = tpu.memref_slice %arg12[%add3A_107, %dma_start3A_154] : memref<10240x128xf32, #tpu.memory_space<vmem_shared>> -> memref<64x128xf32, #tpu.memory_space<vmem_shared>>
      tpu.enqueue_dma source(%dma_start3A_155 : memref<64x128xf32, #tpu.memory_space<vmem_shared>>) target(%dma_start3A_153 : memref<64x128xf32, #tpu.memory_space<hbm>>) target_semaphore(%run_scoped3A_147 : memref<!tpu.dma_semaphore, #tpu.memory_space<semaphore_mem>>)
      %dma_wait3A = arith.constant 0 : i32
      %dma_wait3A_156 = arith.constant 0 : i32
      %dma_wait3A_157 = tpu.memref_slice %arg5[%arg0, %dma_wait3A, %dma_wait3A_156] : memref<2x10240x128xf32, #tpu.memory_space<hbm>> -> memref<1x10240x128xf32, #tpu.memory_space<hbm>>
      %dma_wait3A_158 = tpu.memref_squeeze %dma_wait3A_157 : memref<1x10240x128xf32, #tpu.memory_space<hbm>> -> memref<10240x128xf32, #tpu.memory_space<hbm>>
      %dma_wait3A_159 = arith.constant 0 : i32
      %dma_wait3A_160 = tpu.memref_slice %dma_wait3A_158[%add3A_109, %dma_wait3A_159] : memref<10240x128xf32, #tpu.memory_space<hbm>> -> memref<64x128xf32, #tpu.memory_space<hbm>>
      %dma_wait3A_161 = arith.constant 0 : i32
      %dma_wait3A_162 = tpu.memref_slice %arg12[%add3A_107, %dma_wait3A_161] : memref<10240x128xf32, #tpu.memory_space<vmem_shared>> -> memref<64x128xf32, #tpu.memory_space<vmem_shared>>
      tpu.wait_dma2 semaphore(%run_scoped3A_147 : memref<!tpu.dma_semaphore, #tpu.memory_space<semaphore_mem>>) src(%dma_wait3A_162 : memref<64x128xf32, #tpu.memory_space<vmem_shared>>) dst(%dma_wait3A_160 : memref<64x128xf32, #tpu.memory_space<hbm>>)
      tpu.yield
    }) : () -> ()
    %add3A_110 = arith.constant 128 : i32
    %add3A_111 = arith.addi %mul3A_42, %add3A_110 : i32
    %add3A_112 = arith.constant 128 : i32
    %add3A_113 = arith.addi %mul3A_42, %add3A_112 : i32
    "tpu.region"() ({
      %run_scoped3A_147 = tpu.sem_alloc : memref<!tpu.dma_semaphore, #tpu.memory_space<semaphore_mem>>
      %dma_start3A_148 = arith.constant 0 : i32
      %dma_start3A_149 = arith.constant 0 : i32
      %dma_start3A_150 = tpu.memref_slice %arg5[%arg0, %dma_start3A_148, %dma_start3A_149] : memref<2x10240x128xf32, #tpu.memory_space<hbm>> -> memref<1x10240x128xf32, #tpu.memory_space<hbm>>
      %dma_start3A_151 = tpu.memref_squeeze %dma_start3A_150 : memref<1x10240x128xf32, #tpu.memory_space<hbm>> -> memref<10240x128xf32, #tpu.memory_space<hbm>>
      %dma_start3A_152 = arith.constant 0 : i32
      %dma_start3A_153 = tpu.memref_slice %dma_start3A_151[%add3A_113, %dma_start3A_152] : memref<10240x128xf32, #tpu.memory_space<hbm>> -> memref<64x128xf32, #tpu.memory_space<hbm>>
      %dma_start3A_154 = arith.constant 0 : i32
      %dma_start3A_155 = tpu.memref_slice %arg12[%add3A_111, %dma_start3A_154] : memref<10240x128xf32, #tpu.memory_space<vmem_shared>> -> memref<64x128xf32, #tpu.memory_space<vmem_shared>>
      tpu.enqueue_dma source(%dma_start3A_155 : memref<64x128xf32, #tpu.memory_space<vmem_shared>>) target(%dma_start3A_153 : memref<64x128xf32, #tpu.memory_space<hbm>>) target_semaphore(%run_scoped3A_147 : memref<!tpu.dma_semaphore, #tpu.memory_space<semaphore_mem>>)
      %dma_wait3A = arith.constant 0 : i32
      %dma_wait3A_156 = arith.constant 0 : i32
      %dma_wait3A_157 = tpu.memref_slice %arg5[%arg0, %dma_wait3A, %dma_wait3A_156] : memref<2x10240x128xf32, #tpu.memory_space<hbm>> -> memref<1x10240x128xf32, #tpu.memory_space<hbm>>
      %dma_wait3A_158 = tpu.memref_squeeze %dma_wait3A_157 : memref<1x10240x128xf32, #tpu.memory_space<hbm>> -> memref<10240x128xf32, #tpu.memory_space<hbm>>
      %dma_wait3A_159 = arith.constant 0 : i32
      %dma_wait3A_160 = tpu.memref_slice %dma_wait3A_158[%add3A_113, %dma_wait3A_159] : memref<10240x128xf32, #tpu.memory_space<hbm>> -> memref<64x128xf32, #tpu.memory_space<hbm>>
      %dma_wait3A_161 = arith.constant 0 : i32
      %dma_wait3A_162 = tpu.memref_slice %arg12[%add3A_111, %dma_wait3A_161] : memref<10240x128xf32, #tpu.memory_space<vmem_shared>> -> memref<64x128xf32, #tpu.memory_space<vmem_shared>>
      tpu.wait_dma2 semaphore(%run_scoped3A_147 : memref<!tpu.dma_semaphore, #tpu.memory_space<semaphore_mem>>) src(%dma_wait3A_162 : memref<64x128xf32, #tpu.memory_space<vmem_shared>>) dst(%dma_wait3A_160 : memref<64x128xf32, #tpu.memory_space<hbm>>)
      tpu.yield
    }) : () -> ()
    %add3A_114 = arith.constant 192 : i32
    %add3A_115 = arith.addi %mul3A_42, %add3A_114 : i32
    %add3A_116 = arith.constant 192 : i32
    %add3A_117 = arith.addi %mul3A_42, %add3A_116 : i32
    "tpu.region"() ({
      %run_scoped3A_147 = tpu.sem_alloc : memref<!tpu.dma_semaphore, #tpu.memory_space<semaphore_mem>>
      %dma_start3A_148 = arith.constant 0 : i32
      %dma_start3A_149 = arith.constant 0 : i32
      %dma_start3A_150 = tpu.memref_slice %arg5[%arg0, %dma_start3A_148, %dma_start3A_149] : memref<2x10240x128xf32, #tpu.memory_space<hbm>> -> memref<1x10240x128xf32, #tpu.memory_space<hbm>>
      %dma_start3A_151 = tpu.memref_squeeze %dma_start3A_150 : memref<1x10240x128xf32, #tpu.memory_space<hbm>> -> memref<10240x128xf32, #tpu.memory_space<hbm>>
      %dma_start3A_152 = arith.constant 0 : i32
      %dma_start3A_153 = tpu.memref_slice %dma_start3A_151[%add3A_117, %dma_start3A_152] : memref<10240x128xf32, #tpu.memory_space<hbm>> -> memref<64x128xf32, #tpu.memory_space<hbm>>
      %dma_start3A_154 = arith.constant 0 : i32
      %dma_start3A_155 = tpu.memref_slice %arg12[%add3A_115, %dma_start3A_154] : memref<10240x128xf32, #tpu.memory_space<vmem_shared>> -> memref<64x128xf32, #tpu.memory_space<vmem_shared>>
      tpu.enqueue_dma source(%dma_start3A_155 : memref<64x128xf32, #tpu.memory_space<vmem_shared>>) target(%dma_start3A_153 : memref<64x128xf32, #tpu.memory_space<hbm>>) target_semaphore(%run_scoped3A_147 : memref<!tpu.dma_semaphore, #tpu.memory_space<semaphore_mem>>)
      %dma_wait3A = arith.constant 0 : i32
      %dma_wait3A_156 = arith.constant 0 : i32
      %dma_wait3A_157 = tpu.memref_slice %arg5[%arg0, %dma_wait3A, %dma_wait3A_156] : memref<2x10240x128xf32, #tpu.memory_space<hbm>> -> memref<1x10240x128xf32, #tpu.memory_space<hbm>>
      %dma_wait3A_158 = tpu.memref_squeeze %dma_wait3A_157 : memref<1x10240x128xf32, #tpu.memory_space<hbm>> -> memref<10240x128xf32, #tpu.memory_space<hbm>>
      %dma_wait3A_159 = arith.constant 0 : i32
      %dma_wait3A_160 = tpu.memref_slice %dma_wait3A_158[%add3A_117, %dma_wait3A_159] : memref<10240x128xf32, #tpu.memory_space<hbm>> -> memref<64x128xf32, #tpu.memory_space<hbm>>
      %dma_wait3A_161 = arith.constant 0 : i32
      %dma_wait3A_162 = tpu.memref_slice %arg12[%add3A_115, %dma_wait3A_161] : memref<10240x128xf32, #tpu.memory_space<vmem_shared>> -> memref<64x128xf32, #tpu.memory_space<vmem_shared>>
      tpu.wait_dma2 semaphore(%run_scoped3A_147 : memref<!tpu.dma_semaphore, #tpu.memory_space<semaphore_mem>>) src(%dma_wait3A_162 : memref<64x128xf32, #tpu.memory_space<vmem_shared>>) dst(%dma_wait3A_160 : memref<64x128xf32, #tpu.memory_space<hbm>>)
      tpu.yield
    }) : () -> ()
    %add3A_118 = arith.constant 256 : i32
    %add3A_119 = arith.addi %mul3A_42, %add3A_118 : i32
    %add3A_120 = arith.constant 256 : i32
    %add3A_121 = arith.addi %mul3A_42, %add3A_120 : i32
    "tpu.region"() ({
      %run_scoped3A_147 = tpu.sem_alloc : memref<!tpu.dma_semaphore, #tpu.memory_space<semaphore_mem>>
      %dma_start3A_148 = arith.constant 0 : i32
      %dma_start3A_149 = arith.constant 0 : i32
      %dma_start3A_150 = tpu.memref_slice %arg5[%arg0, %dma_start3A_148, %dma_start3A_149] : memref<2x10240x128xf32, #tpu.memory_space<hbm>> -> memref<1x10240x128xf32, #tpu.memory_space<hbm>>
      %dma_start3A_151 = tpu.memref_squeeze %dma_start3A_150 : memref<1x10240x128xf32, #tpu.memory_space<hbm>> -> memref<10240x128xf32, #tpu.memory_space<hbm>>
      %dma_start3A_152 = arith.constant 0 : i32
      %dma_start3A_153 = tpu.memref_slice %dma_start3A_151[%add3A_121, %dma_start3A_152] : memref<10240x128xf32, #tpu.memory_space<hbm>> -> memref<64x128xf32, #tpu.memory_space<hbm>>
      %dma_start3A_154 = arith.constant 0 : i32
      %dma_start3A_155 = tpu.memref_slice %arg12[%add3A_119, %dma_start3A_154] : memref<10240x128xf32, #tpu.memory_space<vmem_shared>> -> memref<64x128xf32, #tpu.memory_space<vmem_shared>>
      tpu.enqueue_dma source(%dma_start3A_155 : memref<64x128xf32, #tpu.memory_space<vmem_shared>>) target(%dma_start3A_153 : memref<64x128xf32, #tpu.memory_space<hbm>>) target_semaphore(%run_scoped3A_147 : memref<!tpu.dma_semaphore, #tpu.memory_space<semaphore_mem>>)
      %dma_wait3A = arith.constant 0 : i32
      %dma_wait3A_156 = arith.constant 0 : i32
      %dma_wait3A_157 = tpu.memref_slice %arg5[%arg0, %dma_wait3A, %dma_wait3A_156] : memref<2x10240x128xf32, #tpu.memory_space<hbm>> -> memref<1x10240x128xf32, #tpu.memory_space<hbm>>
      %dma_wait3A_158 = tpu.memref_squeeze %dma_wait3A_157 : memref<1x10240x128xf32, #tpu.memory_space<hbm>> -> memref<10240x128xf32, #tpu.memory_space<hbm>>
      %dma_wait3A_159 = arith.constant 0 : i32
      %dma_wait3A_160 = tpu.memref_slice %dma_wait3A_158[%add3A_121, %dma_wait3A_159] : memref<10240x128xf32, #tpu.memory_space<hbm>> -> memref<64x128xf32, #tpu.memory_space<hbm>>
      %dma_wait3A_161 = arith.constant 0 : i32
      %dma_wait3A_162 = tpu.memref_slice %arg12[%add3A_119, %dma_wait3A_161] : memref<10240x128xf32, #tpu.memory_space<vmem_shared>> -> memref<64x128xf32, #tpu.memory_space<vmem_shared>>
      tpu.wait_dma2 semaphore(%run_scoped3A_147 : memref<!tpu.dma_semaphore, #tpu.memory_space<semaphore_mem>>) src(%dma_wait3A_162 : memref<64x128xf32, #tpu.memory_space<vmem_shared>>) dst(%dma_wait3A_160 : memref<64x128xf32, #tpu.memory_space<hbm>>)
      tpu.yield
    }) : () -> ()
    %add3A_122 = arith.constant 320 : i32
    %add3A_123 = arith.addi %mul3A_42, %add3A_122 : i32
    %add3A_124 = arith.constant 320 : i32
    %add3A_125 = arith.addi %mul3A_42, %add3A_124 : i32
    "tpu.region"() ({
      %run_scoped3A_147 = tpu.sem_alloc : memref<!tpu.dma_semaphore, #tpu.memory_space<semaphore_mem>>
      %dma_start3A_148 = arith.constant 0 : i32
      %dma_start3A_149 = arith.constant 0 : i32
      %dma_start3A_150 = tpu.memref_slice %arg5[%arg0, %dma_start3A_148, %dma_start3A_149] : memref<2x10240x128xf32, #tpu.memory_space<hbm>> -> memref<1x10240x128xf32, #tpu.memory_space<hbm>>
      %dma_start3A_151 = tpu.memref_squeeze %dma_start3A_150 : memref<1x10240x128xf32, #tpu.memory_space<hbm>> -> memref<10240x128xf32, #tpu.memory_space<hbm>>
      %dma_start3A_152 = arith.constant 0 : i32
      %dma_start3A_153 = tpu.memref_slice %dma_start3A_151[%add3A_125, %dma_start3A_152] : memref<10240x128xf32, #tpu.memory_space<hbm>> -> memref<64x128xf32, #tpu.memory_space<hbm>>
      %dma_start3A_154 = arith.constant 0 : i32
      %dma_start3A_155 = tpu.memref_slice %arg12[%add3A_123, %dma_start3A_154] : memref<10240x128xf32, #tpu.memory_space<vmem_shared>> -> memref<64x128xf32, #tpu.memory_space<vmem_shared>>
      tpu.enqueue_dma source(%dma_start3A_155 : memref<64x128xf32, #tpu.memory_space<vmem_shared>>) target(%dma_start3A_153 : memref<64x128xf32, #tpu.memory_space<hbm>>) target_semaphore(%run_scoped3A_147 : memref<!tpu.dma_semaphore, #tpu.memory_space<semaphore_mem>>)
      %dma_wait3A = arith.constant 0 : i32
      %dma_wait3A_156 = arith.constant 0 : i32
      %dma_wait3A_157 = tpu.memref_slice %arg5[%arg0, %dma_wait3A, %dma_wait3A_156] : memref<2x10240x128xf32, #tpu.memory_space<hbm>> -> memref<1x10240x128xf32, #tpu.memory_space<hbm>>
      %dma_wait3A_158 = tpu.memref_squeeze %dma_wait3A_157 : memref<1x10240x128xf32, #tpu.memory_space<hbm>> -> memref<10240x128xf32, #tpu.memory_space<hbm>>
      %dma_wait3A_159 = arith.constant 0 : i32
      %dma_wait3A_160 = tpu.memref_slice %dma_wait3A_158[%add3A_125, %dma_wait3A_159] : memref<10240x128xf32, #tpu.memory_space<hbm>> -> memref<64x128xf32, #tpu.memory_space<hbm>>
      %dma_wait3A_161 = arith.constant 0 : i32
      %dma_wait3A_162 = tpu.memref_slice %arg12[%add3A_123, %dma_wait3A_161] : memref<10240x128xf32, #tpu.memory_space<vmem_shared>> -> memref<64x128xf32, #tpu.memory_space<vmem_shared>>
      tpu.wait_dma2 semaphore(%run_scoped3A_147 : memref<!tpu.dma_semaphore, #tpu.memory_space<semaphore_mem>>) src(%dma_wait3A_162 : memref<64x128xf32, #tpu.memory_space<vmem_shared>>) dst(%dma_wait3A_160 : memref<64x128xf32, #tpu.memory_space<hbm>>)
      tpu.yield
    }) : () -> ()
    %add3A_126 = arith.constant 384 : i32
    %add3A_127 = arith.addi %mul3A_42, %add3A_126 : i32
    %add3A_128 = arith.constant 384 : i32
    %add3A_129 = arith.addi %mul3A_42, %add3A_128 : i32
    "tpu.region"() ({
      %run_scoped3A_147 = tpu.sem_alloc : memref<!tpu.dma_semaphore, #tpu.memory_space<semaphore_mem>>
      %dma_start3A_148 = arith.constant 0 : i32
      %dma_start3A_149 = arith.constant 0 : i32
      %dma_start3A_150 = tpu.memref_slice %arg5[%arg0, %dma_start3A_148, %dma_start3A_149] : memref<2x10240x128xf32, #tpu.memory_space<hbm>> -> memref<1x10240x128xf32, #tpu.memory_space<hbm>>
      %dma_start3A_151 = tpu.memref_squeeze %dma_start3A_150 : memref<1x10240x128xf32, #tpu.memory_space<hbm>> -> memref<10240x128xf32, #tpu.memory_space<hbm>>
      %dma_start3A_152 = arith.constant 0 : i32
      %dma_start3A_153 = tpu.memref_slice %dma_start3A_151[%add3A_129, %dma_start3A_152] : memref<10240x128xf32, #tpu.memory_space<hbm>> -> memref<64x128xf32, #tpu.memory_space<hbm>>
      %dma_start3A_154 = arith.constant 0 : i32
      %dma_start3A_155 = tpu.memref_slice %arg12[%add3A_127, %dma_start3A_154] : memref<10240x128xf32, #tpu.memory_space<vmem_shared>> -> memref<64x128xf32, #tpu.memory_space<vmem_shared>>
      tpu.enqueue_dma source(%dma_start3A_155 : memref<64x128xf32, #tpu.memory_space<vmem_shared>>) target(%dma_start3A_153 : memref<64x128xf32, #tpu.memory_space<hbm>>) target_semaphore(%run_scoped3A_147 : memref<!tpu.dma_semaphore, #tpu.memory_space<semaphore_mem>>)
      %dma_wait3A = arith.constant 0 : i32
      %dma_wait3A_156 = arith.constant 0 : i32
      %dma_wait3A_157 = tpu.memref_slice %arg5[%arg0, %dma_wait3A, %dma_wait3A_156] : memref<2x10240x128xf32, #tpu.memory_space<hbm>> -> memref<1x10240x128xf32, #tpu.memory_space<hbm>>
      %dma_wait3A_158 = tpu.memref_squeeze %dma_wait3A_157 : memref<1x10240x128xf32, #tpu.memory_space<hbm>> -> memref<10240x128xf32, #tpu.memory_space<hbm>>
      %dma_wait3A_159 = arith.constant 0 : i32
      %dma_wait3A_160 = tpu.memref_slice %dma_wait3A_158[%add3A_129, %dma_wait3A_159] : memref<10240x128xf32, #tpu.memory_space<hbm>> -> memref<64x128xf32, #tpu.memory_space<hbm>>
      %dma_wait3A_161 = arith.constant 0 : i32
      %dma_wait3A_162 = tpu.memref_slice %arg12[%add3A_127, %dma_wait3A_161] : memref<10240x128xf32, #tpu.memory_space<vmem_shared>> -> memref<64x128xf32, #tpu.memory_space<vmem_shared>>
      tpu.wait_dma2 semaphore(%run_scoped3A_147 : memref<!tpu.dma_semaphore, #tpu.memory_space<semaphore_mem>>) src(%dma_wait3A_162 : memref<64x128xf32, #tpu.memory_space<vmem_shared>>) dst(%dma_wait3A_160 : memref<64x128xf32, #tpu.memory_space<hbm>>)
      tpu.yield
    }) : () -> ()
    %add3A_130 = arith.constant 448 : i32
    %add3A_131 = arith.addi %mul3A_42, %add3A_130 : i32
    %add3A_132 = arith.constant 448 : i32
    %add3A_133 = arith.addi %mul3A_42, %add3A_132 : i32
    "tpu.region"() ({
      %run_scoped3A_147 = tpu.sem_alloc : memref<!tpu.dma_semaphore, #tpu.memory_space<semaphore_mem>>
      %dma_start3A_148 = arith.constant 0 : i32
      %dma_start3A_149 = arith.constant 0 : i32
      %dma_start3A_150 = tpu.memref_slice %arg5[%arg0, %dma_start3A_148, %dma_start3A_149] : memref<2x10240x128xf32, #tpu.memory_space<hbm>> -> memref<1x10240x128xf32, #tpu.memory_space<hbm>>
      %dma_start3A_151 = tpu.memref_squeeze %dma_start3A_150 : memref<1x10240x128xf32, #tpu.memory_space<hbm>> -> memref<10240x128xf32, #tpu.memory_space<hbm>>
      %dma_start3A_152 = arith.constant 0 : i32
      %dma_start3A_153 = tpu.memref_slice %dma_start3A_151[%add3A_133, %dma_start3A_152] : memref<10240x128xf32, #tpu.memory_space<hbm>> -> memref<64x128xf32, #tpu.memory_space<hbm>>
      %dma_start3A_154 = arith.constant 0 : i32
      %dma_start3A_155 = tpu.memref_slice %arg12[%add3A_131, %dma_start3A_154] : memref<10240x128xf32, #tpu.memory_space<vmem_shared>> -> memref<64x128xf32, #tpu.memory_space<vmem_shared>>
      tpu.enqueue_dma source(%dma_start3A_155 : memref<64x128xf32, #tpu.memory_space<vmem_shared>>) target(%dma_start3A_153 : memref<64x128xf32, #tpu.memory_space<hbm>>) target_semaphore(%run_scoped3A_147 : memref<!tpu.dma_semaphore, #tpu.memory_space<semaphore_mem>>)
      %dma_wait3A = arith.constant 0 : i32
      %dma_wait3A_156 = arith.constant 0 : i32
      %dma_wait3A_157 = tpu.memref_slice %arg5[%arg0, %dma_wait3A, %dma_wait3A_156] : memref<2x10240x128xf32, #tpu.memory_space<hbm>> -> memref<1x10240x128xf32, #tpu.memory_space<hbm>>
      %dma_wait3A_158 = tpu.memref_squeeze %dma_wait3A_157 : memref<1x10240x128xf32, #tpu.memory_space<hbm>> -> memref<10240x128xf32, #tpu.memory_space<hbm>>
      %dma_wait3A_159 = arith.constant 0 : i32
      %dma_wait3A_160 = tpu.memref_slice %dma_wait3A_158[%add3A_133, %dma_wait3A_159] : memref<10240x128xf32, #tpu.memory_space<hbm>> -> memref<64x128xf32, #tpu.memory_space<hbm>>
      %dma_wait3A_161 = arith.constant 0 : i32
      %dma_wait3A_162 = tpu.memref_slice %arg12[%add3A_131, %dma_wait3A_161] : memref<10240x128xf32, #tpu.memory_space<vmem_shared>> -> memref<64x128xf32, #tpu.memory_space<vmem_shared>>
      tpu.wait_dma2 semaphore(%run_scoped3A_147 : memref<!tpu.dma_semaphore, #tpu.memory_space<semaphore_mem>>) src(%dma_wait3A_162 : memref<64x128xf32, #tpu.memory_space<vmem_shared>>) dst(%dma_wait3A_160 : memref<64x128xf32, #tpu.memory_space<hbm>>)
      tpu.yield
    }) : () -> ()
    %add3A_134 = arith.constant 512 : i32
    %add3A_135 = arith.addi %mul3A_42, %add3A_134 : i32
    %add3A_136 = arith.constant 512 : i32
    %add3A_137 = arith.addi %mul3A_42, %add3A_136 : i32
    "tpu.region"() ({
      %run_scoped3A_147 = tpu.sem_alloc : memref<!tpu.dma_semaphore, #tpu.memory_space<semaphore_mem>>
      %dma_start3A_148 = arith.constant 0 : i32
      %dma_start3A_149 = arith.constant 0 : i32
      %dma_start3A_150 = tpu.memref_slice %arg5[%arg0, %dma_start3A_148, %dma_start3A_149] : memref<2x10240x128xf32, #tpu.memory_space<hbm>> -> memref<1x10240x128xf32, #tpu.memory_space<hbm>>
      %dma_start3A_151 = tpu.memref_squeeze %dma_start3A_150 : memref<1x10240x128xf32, #tpu.memory_space<hbm>> -> memref<10240x128xf32, #tpu.memory_space<hbm>>
      %dma_start3A_152 = arith.constant 0 : i32
      %dma_start3A_153 = tpu.memref_slice %dma_start3A_151[%add3A_137, %dma_start3A_152] : memref<10240x128xf32, #tpu.memory_space<hbm>> -> memref<64x128xf32, #tpu.memory_space<hbm>>
      %dma_start3A_154 = arith.constant 0 : i32
      %dma_start3A_155 = tpu.memref_slice %arg12[%add3A_135, %dma_start3A_154] : memref<10240x128xf32, #tpu.memory_space<vmem_shared>> -> memref<64x128xf32, #tpu.memory_space<vmem_shared>>
      tpu.enqueue_dma source(%dma_start3A_155 : memref<64x128xf32, #tpu.memory_space<vmem_shared>>) target(%dma_start3A_153 : memref<64x128xf32, #tpu.memory_space<hbm>>) target_semaphore(%run_scoped3A_147 : memref<!tpu.dma_semaphore, #tpu.memory_space<semaphore_mem>>)
      %dma_wait3A = arith.constant 0 : i32
      %dma_wait3A_156 = arith.constant 0 : i32
      %dma_wait3A_157 = tpu.memref_slice %arg5[%arg0, %dma_wait3A, %dma_wait3A_156] : memref<2x10240x128xf32, #tpu.memory_space<hbm>> -> memref<1x10240x128xf32, #tpu.memory_space<hbm>>
      %dma_wait3A_158 = tpu.memref_squeeze %dma_wait3A_157 : memref<1x10240x128xf32, #tpu.memory_space<hbm>> -> memref<10240x128xf32, #tpu.memory_space<hbm>>
      %dma_wait3A_159 = arith.constant 0 : i32
      %dma_wait3A_160 = tpu.memref_slice %dma_wait3A_158[%add3A_137, %dma_wait3A_159] : memref<10240x128xf32, #tpu.memory_space<hbm>> -> memref<64x128xf32, #tpu.memory_space<hbm>>
      %dma_wait3A_161 = arith.constant 0 : i32
      %dma_wait3A_162 = tpu.memref_slice %arg12[%add3A_135, %dma_wait3A_161] : memref<10240x128xf32, #tpu.memory_space<vmem_shared>> -> memref<64x128xf32, #tpu.memory_space<vmem_shared>>
      tpu.wait_dma2 semaphore(%run_scoped3A_147 : memref<!tpu.dma_semaphore, #tpu.memory_space<semaphore_mem>>) src(%dma_wait3A_162 : memref<64x128xf32, #tpu.memory_space<vmem_shared>>) dst(%dma_wait3A_160 : memref<64x128xf32, #tpu.memory_space<hbm>>)
      tpu.yield
    }) : () -> ()
    %add3A_138 = arith.constant 576 : i32
    %add3A_139 = arith.addi %mul3A_42, %add3A_138 : i32
    %add3A_140 = arith.constant 576 : i32
    %add3A_141 = arith.addi %mul3A_42, %add3A_140 : i32
    "tpu.region"() ({
      %run_scoped3A_147 = tpu.sem_alloc : memref<!tpu.dma_semaphore, #tpu.memory_space<semaphore_mem>>
      %dma_start3A_148 = arith.constant 0 : i32
      %dma_start3A_149 = arith.constant 0 : i32
      %dma_start3A_150 = tpu.memref_slice %arg5[%arg0, %dma_start3A_148, %dma_start3A_149] : memref<2x10240x128xf32, #tpu.memory_space<hbm>> -> memref<1x10240x128xf32, #tpu.memory_space<hbm>>
      %dma_start3A_151 = tpu.memref_squeeze %dma_start3A_150 : memref<1x10240x128xf32, #tpu.memory_space<hbm>> -> memref<10240x128xf32, #tpu.memory_space<hbm>>
      %dma_start3A_152 = arith.constant 0 : i32
      %dma_start3A_153 = tpu.memref_slice %dma_start3A_151[%add3A_141, %dma_start3A_152] : memref<10240x128xf32, #tpu.memory_space<hbm>> -> memref<64x128xf32, #tpu.memory_space<hbm>>
      %dma_start3A_154 = arith.constant 0 : i32
      %dma_start3A_155 = tpu.memref_slice %arg12[%add3A_139, %dma_start3A_154] : memref<10240x128xf32, #tpu.memory_space<vmem_shared>> -> memref<64x128xf32, #tpu.memory_space<vmem_shared>>
      tpu.enqueue_dma source(%dma_start3A_155 : memref<64x128xf32, #tpu.memory_space<vmem_shared>>) target(%dma_start3A_153 : memref<64x128xf32, #tpu.memory_space<hbm>>) target_semaphore(%run_scoped3A_147 : memref<!tpu.dma_semaphore, #tpu.memory_space<semaphore_mem>>)
      %dma_wait3A = arith.constant 0 : i32
      %dma_wait3A_156 = arith.constant 0 : i32
      %dma_wait3A_157 = tpu.memref_slice %arg5[%arg0, %dma_wait3A, %dma_wait3A_156] : memref<2x10240x128xf32, #tpu.memory_space<hbm>> -> memref<1x10240x128xf32, #tpu.memory_space<hbm>>
      %dma_wait3A_158 = tpu.memref_squeeze %dma_wait3A_157 : memref<1x10240x128xf32, #tpu.memory_space<hbm>> -> memref<10240x128xf32, #tpu.memory_space<hbm>>
      %dma_wait3A_159 = arith.constant 0 : i32
      %dma_wait3A_160 = tpu.memref_slice %dma_wait3A_158[%add3A_141, %dma_wait3A_159] : memref<10240x128xf32, #tpu.memory_space<hbm>> -> memref<64x128xf32, #tpu.memory_space<hbm>>
      %dma_wait3A_161 = arith.constant 0 : i32
      %dma_wait3A_162 = tpu.memref_slice %arg12[%add3A_139, %dma_wait3A_161] : memref<10240x128xf32, #tpu.memory_space<vmem_shared>> -> memref<64x128xf32, #tpu.memory_space<vmem_shared>>
      tpu.wait_dma2 semaphore(%run_scoped3A_147 : memref<!tpu.dma_semaphore, #tpu.memory_space<semaphore_mem>>) src(%dma_wait3A_162 : memref<64x128xf32, #tpu.memory_space<vmem_shared>>) dst(%dma_wait3A_160 : memref<64x128xf32, #tpu.memory_space<hbm>>)
      tpu.yield
    }) : () -> ()
    %lt3A_142 = arith.constant 10 : i32
    %lt3A_143 = arith.cmpi slt, %arg1, %lt3A_142 : i32
    %convert_element_type3A_144 = arith.extui %lt3A_143 : i1 to i32
    %cond3A_145 = arith.constant 0 : i32
    %cond3A_146 = arith.cmpi ne, %convert_element_type3A_144, %cond3A_145 : i32
    scf.if %cond3A_146 {
      %mul3A_147 = arith.constant 8 : i32
      %mul3A_148 = arith.muli %arg1, %mul3A_147 : i32
      %mul3A_149 = arith.constant 8 : i32
      %mul3A_150 = arith.muli %arg1, %mul3A_149 : i32
      "tpu.region"() ({
        %run_scoped3A_151 = tpu.sem_alloc : memref<!tpu.dma_semaphore, #tpu.memory_space<semaphore_mem>>
        %dma_start3A_152 = arith.constant 0 : i32
        %dma_start3A_153 = arith.constant 0 : i32
        %dma_start3A_154 = tpu.memref_slice %arg6[%arg0, %dma_start3A_152, %dma_start3A_153] : memref<2x80x128xf32, #tpu.memory_space<hbm>> -> memref<1x80x128xf32, #tpu.memory_space<hbm>>
        %dma_start3A_155 = tpu.memref_squeeze %dma_start3A_154 : memref<1x80x128xf32, #tpu.memory_space<hbm>> -> memref<80x128xf32, #tpu.memory_space<hbm>>
        %dma_start3A_156 = arith.constant 0 : i32
        %dma_start3A_157 = tpu.memref_slice %dma_start3A_155[%mul3A_150, %dma_start3A_156] : memref<80x128xf32, #tpu.memory_space<hbm>> -> memref<8x128xf32, #tpu.memory_space<hbm>>
        %dma_start3A_158 = arith.constant 0 : i32
        %dma_start3A_159 = tpu.memref_slice %arg13[%mul3A_148, %dma_start3A_158] : memref<80x128xf32, #tpu.memory_space<vmem_shared>> -> memref<8x128xf32, #tpu.memory_space<vmem_shared>>
        tpu.enqueue_dma source(%dma_start3A_159 : memref<8x128xf32, #tpu.memory_space<vmem_shared>>) target(%dma_start3A_157 : memref<8x128xf32, #tpu.memory_space<hbm>>) target_semaphore(%run_scoped3A_151 : memref<!tpu.dma_semaphore, #tpu.memory_space<semaphore_mem>>)
        %dma_wait3A = arith.constant 0 : i32
        %dma_wait3A_160 = arith.constant 0 : i32
        %dma_wait3A_161 = tpu.memref_slice %arg6[%arg0, %dma_wait3A, %dma_wait3A_160] : memref<2x80x128xf32, #tpu.memory_space<hbm>> -> memref<1x80x128xf32, #tpu.memory_space<hbm>>
        %dma_wait3A_162 = tpu.memref_squeeze %dma_wait3A_161 : memref<1x80x128xf32, #tpu.memory_space<hbm>> -> memref<80x128xf32, #tpu.memory_space<hbm>>
        %dma_wait3A_163 = arith.constant 0 : i32
        %dma_wait3A_164 = tpu.memref_slice %dma_wait3A_162[%mul3A_150, %dma_wait3A_163] : memref<80x128xf32, #tpu.memory_space<hbm>> -> memref<8x128xf32, #tpu.memory_space<hbm>>
        %dma_wait3A_165 = arith.constant 0 : i32
        %dma_wait3A_166 = tpu.memref_slice %arg13[%mul3A_148, %dma_wait3A_165] : memref<80x128xf32, #tpu.memory_space<vmem_shared>> -> memref<8x128xf32, #tpu.memory_space<vmem_shared>>
        tpu.wait_dma2 semaphore(%run_scoped3A_151 : memref<!tpu.dma_semaphore, #tpu.memory_space<semaphore_mem>>) src(%dma_wait3A_166 : memref<8x128xf32, #tpu.memory_space<vmem_shared>>) dst(%dma_wait3A_164 : memref<8x128xf32, #tpu.memory_space<hbm>>)
        tpu.yield
      }) : () -> ()
    } else {
    }
    return
  }
}

module attributes {stable_mosaic.version = 14 : i64} {
  func.func @_prep_body(%arg0: i32, %arg1: memref<2560x128xf32, #tpu.memory_space<vmem>>, %arg2: memref<2560x1xf32, #tpu.memory_space<vmem>>, %arg3: memref<2560x128xf32, #tpu.memory_space<vmem>>) attributes {dimension_semantics = [#tpu.dimension_semantics<arbitrary>], iteration_bounds = array<i64: 4>, scalar_prefetch = 0 : i64, scratch_operands = 0 : i64, tpu.core_type = #tpu.core_type<tc>, window_params = [{transform_indices = @transform_0, window_bounds = array<i64: 2560, 128>}, {transform_indices = @transform_1, window_bounds = array<i64: 2560, 1>}, {transform_indices = @transform_2, window_bounds = array<i64: 2560, 128>}]} {
    %get3A = arith.constant 0 : index
    %get3A_0 = arith.constant 0 : index
    %get3A_1 = vector.load %arg1[%get3A, %get3A_0] : memref<2560x128xf32, #tpu.memory_space<vmem>>, vector<2560x128xf32>
    %get3A_2 = arith.constant 0 : index
    %get3A_3 = arith.constant 0 : index
    %get3A_4 = vector.load %arg2[%get3A_2, %get3A_3] : memref<2560x1xf32, #tpu.memory_space<vmem>>, vector<2560x1xf32>
    %mul3A = vector.broadcast %get3A_4 : vector<2560x1xf32> to vector<2560x128xf32>
    %mul3A_5 = arith.mulf %get3A_1, %mul3A : vector<2560x128xf32>
    %swap3A = arith.constant 0 : index
    %swap3A_6 = arith.constant 0 : index
    %swap3A_7 = vector.load %arg3[%swap3A, %swap3A_6] : memref<2560x128xf32, #tpu.memory_space<vmem>>, vector<2560x128xf32>
    tpu.vector_store %arg3[%swap3A, %swap3A_6], %mul3A_5 {strides = array<i32>} : memref<2560x128xf32, #tpu.memory_space<vmem>>, vector<2560x128xf32>,
    return
  }
  func.func @transform_0(%arg0: i32) -> (i32, i32) {
    %c0_i32 = arith.constant 0 : i32
    %c0_i32_0 = arith.constant 0 : i32
    return %arg0, %c0_i32 : i32, i32
  }
  func.func @transform_1(%arg0: i32) -> (i32, i32) {
    %c0_i32 = arith.constant 0 : i32
    %c0_i32_0 = arith.constant 0 : i32
    return %arg0, %c0_i32 : i32, i32
  }
  func.func @transform_2(%arg0: i32) -> (i32, i32) {
    %c0_i32 = arith.constant 0 : i32
    %c0_i32_0 = arith.constant 0 : i32
    return %arg0, %c0_i32 : i32, i32
  }
}

module attributes {stable_mosaic.version = 14 : i64} {
  func.func @_finish_body(%arg0: i32, %arg1: memref<2x1000x128xf32, #tpu.memory_space<vmem>>, %arg2: memref<2x1000x1xf32, #tpu.memory_space<vmem>>, %arg3: memref<1000x1xf32, #tpu.memory_space<vmem>>, %arg4: memref<128x128xf32, #tpu.memory_space<vmem>>, %arg5: memref<1x128xf32, #tpu.memory_space<vmem>>, %arg6: memref<128x128xf32, #tpu.memory_space<vmem>>, %arg7: memref<1x128xf32, #tpu.memory_space<vmem>>, %arg8: memref<4x1000x128xf32, #tpu.memory_space<vmem>>) attributes {dimension_semantics = [#tpu.dimension_semantics<arbitrary>], iteration_bounds = array<i64: 10>, scalar_prefetch = 0 : i64, scratch_operands = 0 : i64, tpu.core_type = #tpu.core_type<tc>, window_params = [{transform_indices = @transform_0, window_bounds = array<i64: 2, 1000, 128>}, {transform_indices = @transform_1, window_bounds = array<i64: 2, 1000, 1>}, {transform_indices = @transform_2, window_bounds = array<i64: 1000, 1>}, {pipeline_mode = #tpu.pipeline_mode<synchronous>, transform_indices = @transform_3, window_bounds = array<i64: 128, 128>}, {pipeline_mode = #tpu.pipeline_mode<synchronous>, transform_indices = @transform_4, window_bounds = array<i64: 1, 128>}, {pipeline_mode = #tpu.pipeline_mode<synchronous>, transform_indices = @transform_5, window_bounds = array<i64: 128, 128>}, {pipeline_mode = #tpu.pipeline_mode<synchronous>, transform_indices = @transform_6, window_bounds = array<i64: 1, 128>}, {transform_indices = @transform_7, window_bounds = array<i64: 4, 1000, 128>}]} {
    %get3A = arith.constant 0 : index
    %get3A_0 = arith.constant 0 : index
    %get3A_1 = arith.constant 0 : index
    %get3A_2 = vector.load %arg1[%get3A, %get3A_0, %get3A_1] : memref<2x1000x128xf32, #tpu.memory_space<vmem>>, vector<2x1000x128xf32>
    %slice3A = vector.extract_strided_slice %get3A_2 {offsets = [0, 0, 0], sizes = [1, 1000, 128], strides = [1, 1, 1]} : vector<2x1000x128xf32> to vector<1x1000x128xf32>
    %squeeze3A = vector.shape_cast %slice3A : vector<1x1000x128xf32> to vector<1000x128xf32>
    %slice3A_3 = vector.extract_strided_slice %get3A_2 {offsets = [1, 0, 0], sizes = [1, 1000, 128], strides = [1, 1, 1]} : vector<2x1000x128xf32> to vector<1x1000x128xf32>
    %squeeze3A_4 = vector.shape_cast %slice3A_3 : vector<1x1000x128xf32> to vector<1000x128xf32>
    %add3A = arith.addf %squeeze3A, %squeeze3A_4 : vector<1000x128xf32>
    %get3A_5 = arith.constant 0 : index
    %get3A_6 = arith.constant 0 : index
    %get3A_7 = arith.constant 0 : index
    %get3A_8 = vector.load %arg2[%get3A_5, %get3A_6, %get3A_7] : memref<2x1000x1xf32, #tpu.memory_space<vmem>>, vector<2x1000x1xf32>
    %slice3A_9 = vector.extract_strided_slice %get3A_8 {offsets = [0, 0, 0], sizes = [1, 1000, 1], strides = [1, 1, 1]} : vector<2x1000x1xf32> to vector<1x1000x1xf32>
    %squeeze3A_10 = vector.shape_cast %slice3A_9 : vector<1x1000x1xf32> to vector<1000x1xf32>
    %slice3A_11 = vector.extract_strided_slice %get3A_8 {offsets = [1, 0, 0], sizes = [1, 1000, 1], strides = [1, 1, 1]} : vector<2x1000x1xf32> to vector<1x1000x1xf32>
    %squeeze3A_12 = vector.shape_cast %slice3A_11 : vector<1x1000x1xf32> to vector<1000x1xf32>
    %add3A_13 = arith.addf %squeeze3A_10, %squeeze3A_12 : vector<1000x1xf32>
    %get3A_14 = arith.constant 0 : index
    %get3A_15 = arith.constant 0 : index
    %get3A_16 = vector.load %arg3[%get3A_14, %get3A_15] : memref<1000x1xf32, #tpu.memory_space<vmem>>, vector<1000x1xf32>
    %max3A = arith.constant 1.000000e+00 : f32
    %max3A_17 = vector.broadcast %max3A : f32 to vector<1000x1xf32>
    %max3A_18 = arith.maximumf %add3A_13, %max3A_17 : vector<1000x1xf32>
    %div3A = arith.divf %get3A_16, %max3A_18 : vector<1000x1xf32>
    %mul3A = vector.broadcast %div3A : vector<1000x1xf32> to vector<1000x128xf32>
    %mul3A_19 = arith.mulf %add3A, %mul3A : vector<1000x128xf32>
    %get3A_20 = arith.constant 0 : index
    %get3A_21 = arith.constant 0 : index
    %get3A_22 = vector.load %arg4[%get3A_20, %get3A_21] : memref<128x128xf32, #tpu.memory_space<vmem>>, vector<128x128xf32>
    %dot_general3A = arith.constant dense<0.000000e+00> : vector<1000x128xf32>
    %dot_general3A_23 = tpu.matmul %mul3A_19, %get3A_22, %dot_general3A {dimension_numbers = #tpu.dot_dimension_numbers<[1], [0], [0], [1], [0, 0, 1, 1], [], []>, precision = #tpu.contract_precision<fp32>, transpose_lhs_hint = false} : vector<1000x128xf32>, vector<128x128xf32>, vector<1000x128xf32> -> vector<1000x128xf32>
    %get3A_24 = arith.constant 0 : index
    %get3A_25 = arith.constant 0 : index
    %get3A_26 = vector.load %arg5[%get3A_24, %get3A_25] : memref<1x128xf32, #tpu.memory_space<vmem>>, vector<1x128xf32>
    %add3A_27 = vector.broadcast %get3A_26 : vector<1x128xf32> to vector<1000x128xf32>
    %add3A_28 = arith.addf %dot_general3A_23, %add3A_27 : vector<1000x128xf32>
    %max3A_29 = arith.constant 0.000000e+00 : f32
    %max3A_30 = vector.broadcast %max3A_29 : f32 to vector<1000x128xf32>
    %max3A_31 = arith.maximumf %add3A_28, %max3A_30 : vector<1000x128xf32>
    %get3A_32 = arith.constant 0 : index
    %get3A_33 = arith.constant 0 : index
    %get3A_34 = vector.load %arg6[%get3A_32, %get3A_33] : memref<128x128xf32, #tpu.memory_space<vmem>>, vector<128x128xf32>
    %get3A_35 = arith.constant 0 : index
    %get3A_36 = arith.constant 0 : index
    %get3A_37 = vector.load %arg7[%get3A_35, %get3A_36] : memref<1x128xf32, #tpu.memory_space<vmem>>, vector<1x128xf32>
    %dot_general3A_38 = arith.constant dense<0.000000e+00> : vector<1000x128xf32>
    %dot_general3A_39 = tpu.matmul %max3A_31, %get3A_34, %dot_general3A_38 {dimension_numbers = #tpu.dot_dimension_numbers<[1], [0], [0], [1], [0, 0, 1, 1], [], []>, precision = #tpu.contract_precision<fp32>, transpose_lhs_hint = false} : vector<1000x128xf32>, vector<128x128xf32>, vector<1000x128xf32> -> vector<1000x128xf32>
    %add3A_40 = vector.broadcast %get3A_37 : vector<1x128xf32> to vector<1000x128xf32>
    %add3A_41 = arith.addf %dot_general3A_39, %add3A_40 : vector<1000x128xf32>
    %max3A_42 = arith.constant 0.000000e+00 : f32
    %max3A_43 = vector.broadcast %max3A_42 : f32 to vector<1000x128xf32>
    %max3A_44 = arith.maximumf %add3A_41, %max3A_43 : vector<1000x128xf32>
    %swap3A = arith.constant 0 : index
    %swap3A_45 = arith.constant 0 : index
    %swap3A_46 = arith.constant 0 : index
    %swap3A_47 = vector.load %arg8[%swap3A, %swap3A_45, %swap3A_46] : memref<4x1000x128xf32, #tpu.memory_space<vmem>>, vector<1x1000x128xf32>
    %swap3A_48 = vector.shape_cast %swap3A_47 : vector<1x1000x128xf32> to vector<1000x128xf32>
    %swap3A_49 = vector.shape_cast %max3A_44 : vector<1000x128xf32> to vector<1x1000x128xf32>
    tpu.vector_store %arg8[%swap3A, %swap3A_45, %swap3A_46], %swap3A_49 {strides = array<i32>} : memref<4x1000x128xf32, #tpu.memory_space<vmem>>, vector<1x1000x128xf32>,
    %dot_general3A_50 = arith.constant dense<0.000000e+00> : vector<1000x128xf32>
    %dot_general3A_51 = tpu.matmul %max3A_44, %get3A_34, %dot_general3A_50 {dimension_numbers = #tpu.dot_dimension_numbers<[1], [0], [0], [1], [0, 0, 1, 1], [], []>, precision = #tpu.contract_precision<fp32>, transpose_lhs_hint = false} : vector<1000x128xf32>, vector<128x128xf32>, vector<1000x128xf32> -> vector<1000x128xf32>
    %add3A_52 = vector.broadcast %get3A_37 : vector<1x128xf32> to vector<1000x128xf32>
    %add3A_53 = arith.addf %dot_general3A_51, %add3A_52 : vector<1000x128xf32>
    %max3A_54 = arith.constant 0.000000e+00 : f32
    %max3A_55 = vector.broadcast %max3A_54 : f32 to vector<1000x128xf32>
    %max3A_56 = arith.maximumf %add3A_53, %max3A_55 : vector<1000x128xf32>
    %swap3A_57 = arith.constant 1 : index
    %swap3A_58 = arith.constant 0 : index
    %swap3A_59 = arith.constant 0 : index
    %swap3A_60 = vector.load %arg8[%swap3A_57, %swap3A_58, %swap3A_59] : memref<4x1000x128xf32, #tpu.memory_space<vmem>>, vector<1x1000x128xf32>
    %swap3A_61 = vector.shape_cast %swap3A_60 : vector<1x1000x128xf32> to vector<1000x128xf32>
    %swap3A_62 = vector.shape_cast %max3A_56 : vector<1000x128xf32> to vector<1x1000x128xf32>
    tpu.vector_store %arg8[%swap3A_57, %swap3A_58, %swap3A_59], %swap3A_62 {strides = array<i32>} : memref<4x1000x128xf32, #tpu.memory_space<vmem>>, vector<1x1000x128xf32>,
    %dot_general3A_63 = arith.constant dense<0.000000e+00> : vector<1000x128xf32>
    %dot_general3A_64 = tpu.matmul %max3A_56, %get3A_34, %dot_general3A_63 {dimension_numbers = #tpu.dot_dimension_numbers<[1], [0], [0], [1], [0, 0, 1, 1], [], []>, precision = #tpu.contract_precision<fp32>, transpose_lhs_hint = false} : vector<1000x128xf32>, vector<128x128xf32>, vector<1000x128xf32> -> vector<1000x128xf32>
    %add3A_65 = vector.broadcast %get3A_37 : vector<1x128xf32> to vector<1000x128xf32>
    %add3A_66 = arith.addf %dot_general3A_64, %add3A_65 : vector<1000x128xf32>
    %max3A_67 = arith.constant 0.000000e+00 : f32
    %max3A_68 = vector.broadcast %max3A_67 : f32 to vector<1000x128xf32>
    %max3A_69 = arith.maximumf %add3A_66, %max3A_68 : vector<1000x128xf32>
    %swap3A_70 = arith.constant 2 : index
    %swap3A_71 = arith.constant 0 : index
    %swap3A_72 = arith.constant 0 : index
    %swap3A_73 = vector.load %arg8[%swap3A_70, %swap3A_71, %swap3A_72] : memref<4x1000x128xf32, #tpu.memory_space<vmem>>, vector<1x1000x128xf32>
    %swap3A_74 = vector.shape_cast %swap3A_73 : vector<1x1000x128xf32> to vector<1000x128xf32>
    %swap3A_75 = vector.shape_cast %max3A_69 : vector<1000x128xf32> to vector<1x1000x128xf32>
    tpu.vector_store %arg8[%swap3A_70, %swap3A_71, %swap3A_72], %swap3A_75 {strides = array<i32>} : memref<4x1000x128xf32, #tpu.memory_space<vmem>>, vector<1x1000x128xf32>,
    %dot_general3A_76 = arith.constant dense<0.000000e+00> : vector<1000x128xf32>
    %dot_general3A_77 = tpu.matmul %max3A_69, %get3A_34, %dot_general3A_76 {dimension_numbers = #tpu.dot_dimension_numbers<[1], [0], [0], [1], [0, 0, 1, 1], [], []>, precision = #tpu.contract_precision<fp32>, transpose_lhs_hint = false} : vector<1000x128xf32>, vector<128x128xf32>, vector<1000x128xf32> -> vector<1000x128xf32>
    %add3A_78 = vector.broadcast %get3A_37 : vector<1x128xf32> to vector<1000x128xf32>
    %add3A_79 = arith.addf %dot_general3A_77, %add3A_78 : vector<1000x128xf32>
    %max3A_80 = arith.constant 0.000000e+00 : f32
    %max3A_81 = vector.broadcast %max3A_80 : f32 to vector<1000x128xf32>
    %max3A_82 = arith.maximumf %add3A_79, %max3A_81 : vector<1000x128xf32>
    %swap3A_83 = arith.constant 3 : index
    %swap3A_84 = arith.constant 0 : index
    %swap3A_85 = arith.constant 0 : index
    %swap3A_86 = vector.load %arg8[%swap3A_83, %swap3A_84, %swap3A_85] : memref<4x1000x128xf32, #tpu.memory_space<vmem>>, vector<1x1000x128xf32>
    %swap3A_87 = vector.shape_cast %swap3A_86 : vector<1x1000x128xf32> to vector<1000x128xf32>
    %swap3A_88 = vector.shape_cast %max3A_82 : vector<1000x128xf32> to vector<1x1000x128xf32>
    tpu.vector_store %arg8[%swap3A_83, %swap3A_84, %swap3A_85], %swap3A_88 {strides = array<i32>} : memref<4x1000x128xf32, #tpu.memory_space<vmem>>, vector<1x1000x128xf32>,
    return
  }
  func.func @transform_0(%arg0: i32) -> (i32, i32, i32) {
    %c0_i32 = arith.constant 0 : i32
    %c0_i32_0 = arith.constant 0 : i32
    %c0_i32_1 = arith.constant 0 : i32
    return %c0_i32, %arg0, %c0_i32_0 : i32, i32, i32
  }
  func.func @transform_1(%arg0: i32) -> (i32, i32, i32) {
    %c0_i32 = arith.constant 0 : i32
    %c0_i32_0 = arith.constant 0 : i32
    %c0_i32_1 = arith.constant 0 : i32
    return %c0_i32, %arg0, %c0_i32_0 : i32, i32, i32
  }
  func.func @transform_2(%arg0: i32) -> (i32, i32) {
    %c0_i32 = arith.constant 0 : i32
    %c0_i32_0 = arith.constant 0 : i32
    return %arg0, %c0_i32 : i32, i32
  }
  func.func @transform_3(%arg0: i32) -> (i32, i32) {
    %c0_i32 = arith.constant 0 : i32
    %c0_i32_0 = arith.constant 0 : i32
    %c0_i32_1 = arith.constant 0 : i32
    return %c0_i32, %c0_i32_0 : i32, i32
  }
  func.func @transform_4(%arg0: i32) -> (i32, i32) {
    %c0_i32 = arith.constant 0 : i32
    %c0_i32_0 = arith.constant 0 : i32
    %c0_i32_1 = arith.constant 0 : i32
    return %c0_i32, %c0_i32_0 : i32, i32
  }
  func.func @transform_5(%arg0: i32) -> (i32, i32) {
    %c0_i32 = arith.constant 0 : i32
    %c0_i32_0 = arith.constant 0 : i32
    %c0_i32_1 = arith.constant 0 : i32
    return %c0_i32, %c0_i32_0 : i32, i32
  }
  func.func @transform_6(%arg0: i32) -> (i32, i32) {
    %c0_i32 = arith.constant 0 : i32
    %c0_i32_0 = arith.constant 0 : i32
    %c0_i32_1 = arith.constant 0 : i32
    return %c0_i32, %c0_i32_0 : i32, i32
  }
  func.func @transform_7(%arg0: i32) -> (i32, i32, i32) {
    %c0_i32 = arith.constant 0 : i32
    %c0_i32_0 = arith.constant 0 : i32
    %c0_i32_1 = arith.constant 0 : i32
    return %c0_i32, %arg0, %c0_i32_0 : i32, i32, i32
  }
}

</mosaic_0001>

<sc_bundles>
// kernel: kernel.5.cloned.1.call-start
scs
__scs_entry_jumppad:
0x0: {  	(pc) =	sbr.rel $0x88, $3  }
0x1: {  	(tag) =	ssettag $0x0;
	lr =	simm.s32 $0x1  }
0x2: {  	[smem:$0x3F9B] =	sst lr;
	_ =	strace $0xD0000000  }
0x3: {  	_ = 	snop  }
0x4: {  	_ = 	snop  }
0x5: {  	_ = 	snop  }
0x6: {  	_ = 	snop  }
0x7: {  	_ = 	snop  }
__scs_overlays_trampoline_lowered:
0x8: {  	[smem:$0x3FAA] =	sst s0  }
0x9: {  	[smem:$0x3FAB] =	sst s1  }
0xa: {  	[smem:$0x3FAC] =	sst s2  }
0xb: {  	[smem:$0x3FAD] =	sst s3  }
0xc: {  	[smem:$0x3FAE] =	sst s4  }
0xd: {  	[smem:$0x3FAF] =	sst s5  }
0xe: {  	[smem:$0x3FB0] =	sst s6  }
0xf: {  	[smem:$0x3FB1] =	sst s7  }
0x10: {  	[smem:$0x3FB2] =	sst s8  }
0x11: {  	[smem:$0x3FB3] =	sst s9;
	s0 =	simm.s32 @!p0 $0x0  }
0x12: {  	s1 =	sld [smem:$0x3F99];
	s0 =	simm.s32 @p0 $0x1  }
0x13: {  	[smem:$0x3FB4] =	sst s0;
	s0 =	simm.s32 @!p1 $0x0  }
0x14: {  	s2 =	sld [smem:$0x3F98];
	s0 =	simm.s32 @p1 $0x1  }
0x15: {  	[smem:$0x3FB5] =	sst s0;
	s0 =	simm.s32 @!p2 $0x0  }
0x16: {  	s3 =	sld [smem:$0x3FDB];
	s0 =	simm.s32 @p2 $0x1  }
0x17: {  	s4 =	simm.s32 $0x1BF5;
	[smem:$0x3FB7] =	sst s0  }
0x18: {  	s0 =	sld [smem:$0x3F9A];
	_ =	swait.ge [sflag:s4], $0x0  }
0x19: {  	s7 =	sld [smem:$0x3F9B]  }
0x1a: {  	s8 =	sadd.s32 $0xFFFFE003, lr  }
0x1b: {  	s9 =	sadd.s32 $0xFFFFFEF7, lr;
	s5 =	simm.s32 $0xFFFFFFFF;
	p2 =	slt.u32 s8, $0xFFFFF086  }
0x1c: {  	p1 =	slt.u32 s9, $0xF7A;
	s5 =	simm.s32 @!p2 $0x0  }
0x1d: {  	s5 =	simm.s32 @p1 $0x1;
	p0 =	seq.s32 s7, s2  }
0x1e: {  	s7 =	smul.u32 @!p0 $0xF7A, s2;
	p2 =	seq.s32 @!p0 s5, $0x0  }
0x1f: {  	s9 =	smul.u32 $0xF7A, s1;
	s8 =	simm.s32 @!p0 $0x1BF5;
	p2 =	por !p2, p0  }
0x20: {  	[sflag:s8] =	ssyncset.s32 @!p0 $0xFFFFF086;
	s6 =	sadd.s32 @!p0 s3, s7;
	s7 =	simm.s32 @!p0 $0x108  }
0x21: {  	s3 =	sadd.s32 s3, s9;
	s6 =	sadd.s32 @!p0 $0x88, s6;
	s7 =	simm.s32 @p2 $0x1082  }
0x22: {  	[simem:s7], [sflag:s8] =	dma.local @!p0 [hbm:s6], $0xF7A  }
0x23: {  	s9 =	sor.u32 $0xD0000000, s2;
	s6 =	simm.s32 $0x108;
	_ =	swait.ge @!p0 [sflag:s8], $0x0  }
0x24: {  	s3 =	sadd.s32 $0x88, s3;
	s6 =	simm.s32 @!p1 $0x1082;
	[sflag:s4] =	ssyncset.s32 $0xFFFFF086  }
0x25: {  	[simem:s6], [sflag:s4] =	dma.local [hbm:s3], $0xF7A  }
0x26: {  	[smem:$0x3F9B] =	sst s1;
	(tag) =	ssettag s2;
	_ =	strace s9  }
0x27: {  	s1 =	sld [smem:$0x3FAB]  }
0x28: {  	s2 =	sld [smem:$0x3FAC]  }
0x29: {  	s4 =	sld [smem:$0x3FAE]  }
0x2a: {  	p0 =	seq.s32 s5, $0x0;
	s5 =	sld [smem:$0x3FAF]  }
0x2b: {  	s6 =	sld [smem:$0x3FB0]  }
0x2c: {  	s7 =	sld [smem:$0x3FB1]  }
0x2d: {  	s3 =	simm.s32 $0x108;
	s8 =	sld [smem:$0x3FB2]  }
0x2e: {  	s3 =	simm.s32 @!p0 $0x1082;
	s9 =	sld [smem:$0x3FB3]  }
0x2f: {  	lr =	sadd.s32 s0, s3;
	s0 =	sld [smem:$0x3FAA]  }
0x30: {  	s3 =	sld [smem:$0x3FAD]  }
0x31: {  	[smem:$0x3FB6] =	sst s10  }
0x32: {  	s10 =	sld [smem:$0x3FB4];
	_ =	sdelay $0x3  }
0x33: {  	p0 =	seq.s32 s10, $0x1;
	s10 =	sld [smem:$0x3FB6];
	_ =	sdelay $0x3  }
0x34: {  	[smem:$0x3FB6] =	sst s10  }
0x35: {  	s10 =	sld [smem:$0x3FB5];
	_ =	sdelay $0x3  }
0x36: {  	p1 =	seq.s32 s10, $0x1;
	s10 =	sld [smem:$0x3FB6];
	_ =	sdelay $0x3  }
0x37: {  	[smem:$0x3FB6] =	sst s10  }
0x38: {  	s10 =	sld [smem:$0x3FB7]  }
0x39: {  	_ = 	snop;
	(pc) =	sbr.ind lr, $3  }
0x3a: {  	_ = 	snop  }
0x3b: {  	_ = 	snop  }
0x3c: {  	p2 =	seq.s32 s10, $0x1;
	s10 =	sld [smem:$0x3FB6]  }
0x3d: {  	_ =	shalt  }
0x3e: {  	_ =	shalt  }
0x3f: {  	_ =	shalt  }
0x40: {  	_ =	shalt  }
0x41: {  	_ =	shalt  }
0x42: {  	_ =	shalt  }
0x43: {  	_ =	shalt  }
0x44: {  	_ =	shalt  }
0x45: {  	_ =	shalt  }
0x46: {  	_ =	shalt  }
0x47: {  	_ =	shalt  }
0x48: {  	_ =	shalt  }
0x49: {  	_ =	shalt  }
0x4a: {  	_ =	shalt  }
0x4b: {  	_ =	shalt  }
0x4c: {  	_ =	shalt  }
0x4d: {  	_ =	shalt  }
0x4e: {  	_ =	shalt  }
0x4f: {  	_ =	shalt  }
0x50: {  	_ =	shalt  }
0x51: {  	_ =	shalt  }
0x52: {  	_ =	shalt  }
0x53: {  	_ =	shalt  }
0x54: {  	_ =	shalt  }
0x55: {  	_ =	shalt  }
0x56: {  	_ =	shalt  }
0x57: {  	_ =	shalt  }
0x58: {  	_ =	shalt  }
0x59: {  	_ =	shalt  }
0x5a: {  	_ =	shalt  }
0x5b: {  	_ =	shalt  }
0x5c: {  	_ =	shalt  }
0x5d: {  	_ =	shalt  }
0x5e: {  	_ =	shalt  }
0x5f: {  	_ =	shalt  }
0x60: {  	_ =	shalt  }
0x61: {  	_ =	shalt  }
0x62: {  	_ =	shalt  }
0x63: {  	_ =	shalt  }
0x64: {  	_ =	shalt  }
0x65: {  	_ =	shalt  }
0x66: {  	_ =	shalt  }
0x67: {  	_ =	shalt  }
0x68: {  	_ =	shalt  }
0x69: {  	_ =	shalt  }
0x6a: {  	_ =	shalt  }
0x6b: {  	_ =	shalt  }
0x6c: {  	_ =	shalt  }
0x6d: {  	_ =	shalt  }
0x6e: {  	_ =	shalt  }
0x6f: {  	_ =	shalt  }
0x70: {  	_ =	shalt  }
0x71: {  	_ =	shalt  }
0x72: {  	_ =	shalt  }
0x73: {  	_ =	shalt  }
0x74: {  	_ =	shalt  }
0x75: {  	_ =	shalt  }
0x76: {  	_ =	shalt  }
0x77: {  	_ =	shalt  }
0x78: {  	_ =	shalt  }
0x79: {  	_ =	shalt  }
0x7a: {  	_ =	shalt  }
0x7b: {  	_ =	shalt  }
0x7c: {  	_ =	shalt  }
0x7d: {  	_ =	shalt  }
0x7e: {  	_ =	shalt  }
0x7f: {  	_ =	shalt  }
0x80: {  	_ =	shalt  }
0x81: {  	_ =	shalt  }
0x82: {  	_ =	shalt  }
0x83: {  	_ =	shalt  }
0x84: {  	_ =	shalt  }
0x85: {  	_ =	shalt  }
0x86: {  	_ =	shalt  }
0x87: {  	_ =	shalt  }
.Lfunc_end0:
.L_simem_size_0:
called_computation_lowered:
.L_overlay_start_0:
0x88: {  	s2 =	sld [smem:$0x3FD9]  }
0x89: {  	s3 =	sld [smem:$0x3FFE];
	_ =	sdelay $0x1  }
0x8a: {  	s1 =	srdreg.scid  }
0x8b: {  	s0 =	sand.u32 $0x1, s1  }
0x8c: {  	s17 =	sshll.u32 s0, $0xA;
	s2 =	sadd.s32 s3, s2  }
0x8d: {  	s2 =	sadd.s32 s2, s17  }
0x8e: {  	[smem:$0x3FC2] =	sst s2  }
0x8f: {  	_ = 	snop  }
0x90: {  	s2 =	sld [smem:$0x3FD0];
	(tm) =	ssettm $0x1  }
0x91: {  	s18 =	sld [smem:$0x3FFB];
	_ =	sdelay $0x3  }
0x92: {  	_ =	strace s18  }
0x93: {  	s3 =	sld [smem:$0x3FFC];
	_ =	sdelay $0x3  }
0x94: {  	_ =	strace s3  }
0x95: {  	s3 =	sld [smem:$0x3FFD];
	_ =	sdelay $0x3  }
0x96: {  	_ =	strace s3  }
0x97: {  	_ =	strace $0x8FFFFFFF  }
0x98: {  	s19 =	sld [smem:$0x3FDB];
	_ =	sdelay $0x1  }
0x99: {  	s4 =	simm.s32 $_scs_section_size  }
0x9a: {  	s5 =	simm.s32 $_size__tile_overlayer_lowered;
	s6 =	simm.s32 $_tile_overlayer_lowered  }
0x9b: {  	s22 =	simm.s32 $0x1BFF;
	s21 =	sshll.u32 s6, $0x1;
	s3 =	sadd.s32 s4, s19  }
0x9c: {  	s7 =	simm.s32 $0x0;
	s20 =	sshll.u32 s5, $0x1;
	s5 =	sadd.s32 s21, s3  }
0x9d: {  	[timem:s7], [sflag:s22] =	dma.local [hbm:s5], s20  }
0x9e: {  	_ =	swait.ge [sflag:s22], s20  }
0x9f: {  	s4 =	ssub.s32 $0x0, s20;
	[sflag:s22] =	ssyncset.done $0x0  }
0xa0: {  	[sflag:s22] =	ssyncadd.s32 s4;
	_ =	sdelay $0x1  }
0xa1: {  	s23 =	simm.s32 $0x1B8B  }
0xa2: {  	_ =	swait.ge [sflag:s23], $0x1  }
0xa3: {  	[sflag:s23] =	ssyncset.done $0x0  }
0xa4: {  	s25 =	simm.s32 $0x1B8E;
	s24 =	sld [smem:$0x3FFE];
	[sflag:s23] =	ssyncadd.s32 $0xFFFFFFFF  }
0xa5: {  	s26 =	simm.s32 $execute0_lowered;
	[smem:$0x3FD2] =	sst s25  }
0xa6: {  	s5 =	sshll.u32 s26, $0x1;
	_ =	strace $0x80000046;
	[dreg:$0x1] =	wrdreg $0xFFFFFFFF  }
0xa7: {  	s28 =	simm.s32 $_size_execute0_lowered;
	s3 =	sadd.s32 s3, s5;
	[dreg:$0x0] =	wrdreg $0x0  }
0xa8: {  	s5 =	sshll.u32 s28, $0x1;
	[dreg:$0x2] =	wrdreg s3  }
0xa9: {  	[dreg:$0x3] =	wrdreg s5  }
0xaa: {  	[dreg:$0x4] =	wrdreg $0xC0  }
0xab: {  	_ =	task [dreg:s7], $0x5FFFF  }
0xac: {  	[dreg:$0x1] =	wrdreg $0xFFFFFFFF  }
0xad: {  	[dreg:$0x0] =	wrdreg $0x60  }
0xae: {  	[dreg:$0x2] =	wrdreg s24  }
0xaf: {  	[dreg:$0x3] =	wrdreg s2  }
0xb0: {  	[dreg:$0x4] =	wrdreg $0x92800  }
0xb1: {  	[dreg:$0x5] =	wrdreg $0x1D2800  }
0xb2: {  	[dreg:$0x6] =	wrdreg $0x9  }
0xb3: {  	_ =	task.clear_ibuf [dreg:s7], $0x7FFFF;
	_ =	strace $0x90000046  }
0xb4: {  	s29 =	simm.s32 $0x9;
	_ =	strace $0x80000048  }
0xb5: {  	_ =	swait.ge [sflag:s29], $0x1  }
0xb6: {  	[sflag:s29] =	ssyncadd.s32 $0xFFFFFFFF  }
0xb7: {  	_ =	strace $0x90000048  }
0xb8: {  	_ =	sfence  }
0xb9: {  	s30 =	sld [smem:$0x0];
	_ =	sdelay $0x2  }
0xba: {  	s31 =	sshll.u32 s1, $0xD;
	s1 =	sshrl.u32 s1, $0x2  }
0xbb: {  	s3 =	sand.u32 $0x4000, s31;
	s1 =	sadd.s32 s1, s30  }
0xbc: {  	s0 =	sor.u32 s3, s0;
	s1 =	sshll.u32 s1, $0x11  }
0xbd: {  	s0 =	sor.u32 s1, s0  }
0xbe: {  	s0 =	sadd.s32 $0x8F2B, s0  }
0xbf: {  	[sflag:s0] =	ssyncadd.remote.s32 $0x1  }
0xc0: {  	_ =	sfence.sel $0xFFFF  }
0xc1: {  	[dreg:$0x0] =	wrdreg $0xFFFFFFFF;
	(pc) =	sbr.abs _section_cstart, $3  }
0xc2: {  	[dreg:$0x1] =	wrdreg $0xFFFFFFFF  }
0xc3: {  	_ =	task.clear_ibuf [dreg:s7], $0x2FFFF;
	_ =	strace $0x9FFFFFFF  }
0xc4: {  	(tm) =	ssettm $0x7FFFFFFF  }
0xc5: {  	_ =	shalt  }
tec
execute0_lowered:
.L_overlay_start_1:
0x0: {  	(tag) =	ssettag $0x1  }
0x1: {  	s0 =	srdreg.scid  }
0x2: {  	s2 =	rddreg [dreg:$0x0];
	s28 =	stileid.u32  }
0x3: {  	s4 =	rddreg [dreg:$0x1];
	s5 =	smul.u32 $0x280, s28  }
0x4: {  	s1 =	rddreg [dreg:$0x2];
	s3 =	sand.u32 $0x1, s0;
	s20 =	smul.u32 $0x2800, s28  }
0x5: {  	p0 =	sgt.u32 s28, $0x9;
	s0 =	ssub.s32 $0x2, s3;
	s13 =	smul.u32 $0x500, s3  }
0x6: {  	s6 =	sshll.u32 s3, $0x4;
	s3 =	smul.u32 $0x28000, s3;
	s7 =	sshrl.u32 s0, $0x1  }
0x7: {  	s14 =	sadd.s32 $0x80, s5;
	s21 =	sadd.s32 $0xC0, s5;
	s22 =	sadd.s32 $0x100, s5  }
0x8: {  	s23 =	sadd.s32 $0x140, s5;
	s24 =	sadd.s32 $0x180, s5;
	s25 =	sadd.s32 $0x1C0, s5  }
0x9: {  	s26 =	sadd.s32 $0x200, s5;
	s0 =	ssub.s32 s0, s7;
	s7 =	sor.u32 $0x40, s5  }
0xa: {  	s5 =	sadd.s32 $0x240, s5;
	s3 =	sadd.s32 s4, s3;
	s9 =	sshll.u32 s14, $0x4  }
0xb: {  	s10 =	sshll.u32 s21, $0x4;
	s11 =	sshll.u32 s22, $0x4;
	s12 =	sshll.u32 s23, $0x4  }
0xc: {  	s15 =	sshll.u32 s24, $0x4;
	s16 =	sshll.u32 s25, $0x4;
	s17 =	sshll.u32 s26, $0x4  }
0xd: {  	s8 =	sshll.u32 s7, $0x4;
	s18 =	sshll.u32 s5, $0x4;
	s4 =	sadd.s32 s20, s3  }
0xe: {  	s20 =	sadd.s32 s9, s3;
	s9 =	sadd.s32 s11, s3;
	s11 =	sadd.s32 s15, s3  }
0xf: {  	s15 =	sadd.s32 s17, s3;
	s17 =	sadd.s32 s13, s2;
	[dreg:$0x5] =	wrdreg s4  }
0x10: {  	s13 =	sshll.u32 s25, $0x7;
	s31 =	smax.u32 s0, $0x1;
	[dreg:$0x7] =	wrdreg s20  }
0x11: {  	s0 =	simm.s32 $0x200;
	s19 =	sadd.s32 s8, s3;
	[dreg:$0x9] =	wrdreg s9  }
0x12: {  	s8 =	sadd.s32 s10, s3;
	s10 =	sadd.s32 s12, s3;
	[dreg:$0xb] =	wrdreg s11  }
0x13: {  	s12 =	sadd.s32 s16, s3;
	[dreg:$0xd] =	wrdreg s15;
	s3 =	sadd.s32 s18, s3  }
0x14: {  	s16 =	sor.u32 s28, s6;
	s4 =	sadd.s32 $0x51A00, s17;
	s6 =	sshll.u32 s28, $0x7  }
0x15: {  	s18 =	smul.u32 $0x50000, s28;
	s20 =	sshll.u32 s7, $0x7;
	[dreg:$0x6] =	wrdreg s19  }
0x16: {  	s7 =	sshll.u32 s21, $0x7;
	s9 =	sshll.u32 s22, $0x7;
	[dreg:$0x8] =	wrdreg s8  }
0x17: {  	s11 =	sshll.u32 s24, $0x7;
	s25 =	sadd.s32 s13, s1;
	[dreg:$0xa] =	wrdreg s10  }
0x18: {  	s15 =	sshll.u32 s5, $0x7;
	s17 =	sshll.u32 s28, $0xA;
	[dreg:$0xc] =	wrdreg s12  }
0x19: {  	s13 =	simm.s32 $0x4200;
	s5 =	simm.s32 $0x0;
	[dreg:$0xe] =	wrdreg s3  }
0x1a: {  	s12 =	simm.s32 $0x0;
	s3 =	smul.u32 $0x13C0, s16;
	s8 =	rddreg [dreg:$0x3]  }
0x1b: {  	s4 =	sadd.s32 @!p0 s6, s4;
	s16 =	sadd.s32 $0x29A00, s2;
	s6 =	sshll.u32 s14, $0x7  }
0x1c: {  	s21 =	sadd.s32 s7, s1;
	s22 =	sadd.s32 s9, s1;
	s10 =	sshll.u32 s23, $0x7  }
0x1d: {  	s24 =	sadd.s32 s11, s1;
	s14 =	sshll.u32 s26, $0x7;
	[smem:$0x7FF] =	sst s12  }
0x1e: {  	s28 =	sadd.s32 s15, s1;
	[dreg:$0xf] =	wrdreg s4;
	s19 =	sshrl.u32 s18, $0x2  }
0x1f: {  	s23 =	sadd.s32 s10, s1;
	s26 =	sadd.s32 s14, s1;
	s29 =	sadd.s32 s17, s8  }
0x20: {  	s14 =	simm.s32 $0x5;
	s4 =	simm.s32 $0x2;
	_ =	strace $0x80000047  }
0x21: {  	v0 =	vlaneseq.u32;
	s3 =	sadd.s32 s3, s2;
	s2 =	sadd.s32 $0x29400, s2;
	s18 =	sadd.s32 s19, s1  }
0x22: {  	v5 =	vimm.f32 $0.0e+00;
	v1 =	vor.u32 $0x10, v0;
	s19 =	sadd.s32 s20, s1;
	s20 =	sadd.s32 s6, s1;
	[dreg:$0x10] =	wrdreg s2  }
0x23: {  	v2 =	vor.u32 $0x20, v0;
	v3 =	vor.u32 $0x30, v0;
	v4 =	vor.u32 $0x40, v0;
	s30 =	sadd.s32 $0x1C00, s3;
	s2 =	simm.s32 $0x40;
	s3 =	simm.s32 $0x6A00  }
.LBB2_1:
0x24: {  	s6 =	rddreg [dreg:$0x10]  }
0x25: {  	[tilespmem:s13], [sflag:$0x5] =	stream.linear.gather [hbm4b:s6+s12], $0x2800, $0x38;
	[tilespmem:$0x1D500] =	vst v63  }
0x26: {  	_ =	swait.ge [sflag:s14], $0x2800  }
0x27: {  	[sflag:s14] =	ssyncset.done $0x0  }
0x28: {  	[sflag:s14] =	ssyncadd.s32 $0xFFFFD800  }
0x29: {  	[tilespmem:$0x9200] =	vst v0  }
0x2a: {  	[tilespmem:$0x9210] =	vst v1  }
0x2b: {  	[tilespmem:$0x9220] =	vst v2  }
0x2c: {  	[tilespmem:$0x9230] =	vst v3  }
0x2d: {  	s7 =	simm.s32 $0x200;
	s6 =	simm.s32 $0x0;
	[tilespmem:$0x9240] =	vst v4  }
.LBB2_2:
0x2e: {  	p1 =	sne.s32 s7, $0x7E00;
	[tilespmem:s6+$0x270] =	vst v5  }
0x2f: {  	[tilespmem:s6+$0x200] =	vst v5  }
0x30: {  	[tilespmem:s6+$0x210] =	vst v5  }
.Ltmp0:
0x31: {  	[tilespmem:s6+$0x220] =	vst v5;
	(pc) =	sbr.rel @p1 .LBB2_2-.Ltmp0, $4  }
0x32: {  	[tilespmem:s6+$0x230] =	vst v5  }
0x33: {  	[tilespmem:s6+$0x240] =	vst v5  }
0x34: {  	[tilespmem:s6+$0x250] =	vst v5  }
0x35: {  	[tilespmem:s6+$0x260] =	vst v5;
	s6 =	sshra.s32 s7, $0x2;
	s7 =	sadd.s32 $0x200, s7  }
0x36: {  	[tilespmem:s6+$0x270] =	vst v5  }
0x37: {  	[tilespmem:s6+$0x200] =	vst v5  }
0x38: {  	[tilespmem:s6+$0x210] =	vst v5  }
0x39: {  	[tilespmem:s6+$0x220] =	vst v5  }
0x3a: {  	[tilespmem:s6+$0x230] =	vst v5  }
0x3b: {  	[tilespmem:s6+$0x240] =	vst v5  }
0x3c: {  	[tilespmem:s6+$0x250] =	vst v5  }
0x3d: {  	[tilespmem:s6+$0x260] =	vst v5;
	s6 =	simm.s32 $0x0;
	s7 =	simm.s32 $0x200  }
.LBB2_4:
0x3e: {  	p1 =	sne.s32 s7, $0x9E00;
	[tilespmem:s6+$0x6A70] =	vst v5  }
0x3f: {  	[tilespmem:s6+$0x6A00] =	vst v5  }
0x40: {  	[tilespmem:s6+$0x6A10] =	vst v5  }
.Ltmp1:
0x41: {  	[tilespmem:s6+$0x6A20] =	vst v5;
	(pc) =	sbr.rel @p1 .LBB2_4-.Ltmp1, $4  }
0x42: {  	[tilespmem:s6+$0x6A30] =	vst v5  }
0x43: {  	[tilespmem:s6+$0x6A40] =	vst v5  }
0x44: {  	[tilespmem:s6+$0x6A50] =	vst v5  }
0x45: {  	[tilespmem:s6+$0x6A60] =	vst v5;
	s6 =	sshra.s32 s7, $0x2;
	s7 =	sadd.s32 $0x200, s7  }
0x46: {  	[tilespmem:s6+$0x6A70] =	vst v5  }
0x47: {  	[tilespmem:s6+$0x6A00] =	vst v5  }
0x48: {  	[tilespmem:s6+$0x6A10] =	vst v5  }
0x49: {  	[tilespmem:s6+$0x6A20] =	vst v5  }
0x4a: {  	[tilespmem:s6+$0x6A30] =	vst v5  }
0x4b: {  	[tilespmem:s6+$0x6A40] =	vst v5  }
0x4c: {  	[tilespmem:s6+$0x6A50] =	vst v5  }
0x4d: {  	[tilespmem:s6+$0x6A60] =	vst v5  }
0x4e: {  	[spmem:s18] =	stream.linear.scatter [tilespmem:s0], [sflag:$0x5], $0x2000, $0x38;
	[tilespmem:$0x1D500] =	vst v63  }
0x4f: {  	_ =	swait.ge [sflag:s14], $0x2000  }
0x50: {  	[sflag:s14] =	ssyncset.done $0x0  }
0x51: {  	[sflag:s14] =	ssyncadd.s32 $0xFFFFE000  }
0x52: {  	[spmem:s19] =	stream.linear.scatter [tilespmem:s0], [sflag:$0x5], $0x2000, $0x38;
	[tilespmem:$0x1D500] =	vst v63  }
0x53: {  	_ =	swait.ge [sflag:s14], $0x2000  }
0x54: {  	[sflag:s14] =	ssyncset.done $0x0  }
0x55: {  	[sflag:s14] =	ssyncadd.s32 $0xFFFFE000  }
0x56: {  	[spmem:s20] =	stream.linear.scatter [tilespmem:s0], [sflag:$0x5], $0x2000, $0x38;
	[tilespmem:$0x1D500] =	vst v63  }
0x57: {  	_ =	swait.ge [sflag:s14], $0x2000  }
0x58: {  	[sflag:s14] =	ssyncset.done $0x0  }
0x59: {  	[sflag:s14] =	ssyncadd.s32 $0xFFFFE000  }
0x5a: {  	[spmem:s21] =	stream.linear.scatter [tilespmem:s0], [sflag:$0x5], $0x2000, $0x38;
	[tilespmem:$0x1D500] =	vst v63  }
0x5b: {  	_ =	swait.ge [sflag:s14], $0x2000  }
0x5c: {  	[sflag:s14] =	ssyncset.done $0x0  }
0x5d: {  	[sflag:s14] =	ssyncadd.s32 $0xFFFFE000  }
0x5e: {  	[spmem:s22] =	stream.linear.scatter [tilespmem:s0], [sflag:$0x5], $0x2000, $0x38;
	[tilespmem:$0x1D500] =	vst v63  }
0x5f: {  	_ =	swait.ge [sflag:s14], $0x2000  }
0x60: {  	[sflag:s14] =	ssyncset.done $0x0  }
0x61: {  	[sflag:s14] =	ssyncadd.s32 $0xFFFFE000  }
0x62: {  	[spmem:s23] =	stream.linear.scatter [tilespmem:s0], [sflag:$0x5], $0x2000, $0x38;
	[tilespmem:$0x1D500] =	vst v63  }
0x63: {  	_ =	swait.ge [sflag:s14], $0x2000  }
0x64: {  	[sflag:s14] =	ssyncset.done $0x0  }
0x65: {  	[sflag:s14] =	ssyncadd.s32 $0xFFFFE000  }
0x66: {  	[spmem:s24] =	stream.linear.scatter [tilespmem:s0], [sflag:$0x5], $0x2000, $0x38;
	[tilespmem:$0x1D500] =	vst v63  }
0x67: {  	_ =	swait.ge [sflag:s14], $0x2000  }
0x68: {  	[sflag:s14] =	ssyncset.done $0x0  }
0x69: {  	[sflag:s14] =	ssyncadd.s32 $0xFFFFE000  }
0x6a: {  	[spmem:s25] =	stream.linear.scatter [tilespmem:s0], [sflag:$0x5], $0x2000, $0x38;
	[tilespmem:$0x1D500] =	vst v63  }
0x6b: {  	_ =	swait.ge [sflag:s14], $0x2000  }
0x6c: {  	[sflag:s14] =	ssyncset.done $0x0  }
0x6d: {  	[sflag:s14] =	ssyncadd.s32 $0xFFFFE000  }
0x6e: {  	[spmem:s26] =	stream.linear.scatter [tilespmem:s0], [sflag:$0x5], $0x2000, $0x38;
	[tilespmem:$0x1D500] =	vst v63  }
0x6f: {  	_ =	swait.ge [sflag:s14], $0x2000  }
0x70: {  	[sflag:s14] =	ssyncset.done $0x0  }
0x71: {  	[sflag:s14] =	ssyncadd.s32 $0xFFFFE000  }
0x72: {  	[spmem:s28] =	stream.linear.scatter [tilespmem:s0], [sflag:$0x5], $0x2000, $0x38;
	[tilespmem:$0x1D500] =	vst v63  }
0x73: {  	_ =	swait.ge [sflag:s14], $0x2000  }
0x74: {  	[sflag:s14] =	ssyncset.done $0x0  }
0x75: {  	s6 =	simm.s32 @!p0 $0x200;
	[sflag:s14] =	ssyncadd.s32 $0xFFFFE000  }
0x76: {  	[spmem:s29] =	stream.linear.scatter @!p0 [tilespmem:s6], [sflag:$0x5], $0x400, $0x38;
	[tilespmem:$0x1D500] =	vst v63  }
0x77: {  	s6 =	simm.s32 @!p0 $0x5  }
0x78: {  	_ =	swait.ge @!p0 [sflag:s6], $0x400  }
0x79: {  	[sflag:s6] =	ssyncset.done @!p0 $0x0  }
0x7a: {  	[sflag:s6] =	ssyncadd.s32 @!p0 $0xFFFFFC00  }
0x7b: {  	s6 =	simm.s32 $0x0;
	[bflag:$0x0] =	sbarrier.arrive $0xFFFF  }
0x7c: {  	[tilespmem:s6], [sflag:$0x5] =	stream.linear.gather [hbm4b:s30+s6], $0x100, $0x38;
	[tilespmem:$0x1D500] =	vst v63  }
0x7d: {  	_ =	swait.ge [sflag:s14], $0x100  }
0x7e: {  	[sflag:s14] =	ssyncset.done $0x0  }
0x7f: {  	s7 =	sadd.s32 $0x20, s30;
	[sflag:s14] =	ssyncadd.s32 $0xFFFFFF00  }
0x80: {  	[tilespmem:s0], [sflag:$0x1] =	stream.indirect.gather [hbm4b:s16+s2], $0x80, s6, s2, $0xb8;
	[tilespmem:$0x1D500] =	vst v63  }
.LBB2_6:
0x81: {  	s8 =	sand.u32 $0x1, s6  }
0x82: {  	s9 =	sxor.u32 $0x1, s8  }
0x83: {  	s15 =	sshll.u32 s8, $0x8;
	s10 =	sadd.s32 $0x3, s9;
	s11 =	sshll.u32 s9, $0x8  }
0x84: {  	[tilespmem:s11], [sflag:s10] =	stream.linear.gather [hbm4b:s7+s12], $0x100, $0x38;
	[tilespmem:$0x1D500] =	vst v63  }
0x85: {  	v6 =	vld [tilespmem:s15+$0x0];
	_ =	sdelay $0x4  }
0x86: {  	v7 =	vld [tilespmem:s15+$0x80];
	_ =	sdelay $0x2  }
0x87: {  	v6 =	vld.idx.msk [tilespmem:v6+s13+$0x0], $0xffff;
	_ =	sdelay $0x4  }
0x88: {  	[tilespmem:v7+s3+$0x0] =	vst.idx.add.f32.msk $0xffff, v6  }
0x89: {  	v6 =	vld [tilespmem:s15+$0x10];
	_ =	sdelay $0x4  }
0x8a: {  	v7 =	vld [tilespmem:s15+$0x90];
	_ =	sdelay $0x2  }
0x8b: {  	v6 =	vld.idx.msk [tilespmem:v6+s13+$0x0], $0xffff;
	_ =	sdelay $0x4  }
0x8c: {  	[tilespmem:v7+s3+$0x0] =	vst.idx.add.f32.msk $0xffff, v6  }
0x8d: {  	v6 =	vld [tilespmem:s15+$0x20];
	_ =	sdelay $0x4  }
0x8e: {  	v7 =	vld [tilespmem:s15+$0xA0];
	_ =	sdelay $0x2  }
0x8f: {  	v6 =	vld.idx.msk [tilespmem:v6+s13+$0x0], $0xffff;
	_ =	sdelay $0x4  }
0x90: {  	[tilespmem:v7+s3+$0x0] =	vst.idx.add.f32.msk $0xffff, v6  }
0x91: {  	v6 =	vld [tilespmem:s15+$0x30];
	_ =	sdelay $0x4  }
0x92: {  	v7 =	vld [tilespmem:s15+$0xB0];
	_ =	sdelay $0x2  }
0x93: {  	v6 =	vld.idx.msk [tilespmem:v6+s13+$0x0], $0xffff;
	_ =	sdelay $0x4  }
0x94: {  	s17 =	sadd.s32 $0x1, s8;
	[tilespmem:v7+s3+$0x0] =	vst.idx.add.f32.msk $0xffff, v6  }
0x95: {  	_ =	swait.ge [sflag:s17], $0x2000  }
0x96: {  	s8 =	sshll.u32 s8, $0xD;
	[sflag:s17] =	ssyncset.done $0x0  }
0x97: {  	s8 =	sor.u32 $0x200, s8;
	s15 =	sor.u32 $0x80, s15;
	[sflag:s17] =	ssyncadd.s32 $0xFFFFE000  }
0x98: {  	[spmem:s1] =	stream.indirect.scatter.add.f32 [tilespmem:s8], [sflag:$0x5], $0x80, s15, s2, $0xb8;
	[tilespmem:$0x1D500] =	vst v63  }
0x99: {  	_ =	swait.ge [sflag:s14], $0x2000  }
0x9a: {  	p1 =	sne.s32 s6, $0x9C;
	[sflag:s14] =	ssyncset.done $0x0  }
.Ltmp2:
0x9b: {  	[sflag:s14] =	ssyncadd.s32 $0xFFFFE000;
	(pc) =	sbr.rel @p1 .LBB2_6-.Ltmp2, $4  }
0x9c: {  	s6 =	sadd.s32 $0x1, s6;
	_ =	swait.ge [sflag:s10], $0x100  }
0x9d: {  	s7 =	sadd.s32 $0x20, s7;
	s17 =	sshll.u32 s9, $0xD;
	[sflag:s10] =	ssyncset.done $0x0  }
0x9e: {  	s9 =	sadd.s32 $0x1, s9;
	s8 =	sor.u32 $0x200, s17;
	[sflag:s10] =	ssyncadd.s32 $0xFFFFFF00  }
0x9f: {  	[tilespmem:s8], [sflag:s9] =	stream.indirect.gather [hbm4b:s16+s2], $0x80, s11, s2, $0xb8;
	[tilespmem:$0x1D500] =	vst v63  }
0xa0: {  	v6 =	vld [tilespmem:$0x100];
	_ =	sdelay $0x4  }
0xa1: {  	v7 =	vld [tilespmem:$0x180];
	_ =	sdelay $0x2  }
0xa2: {  	v6 =	vld.idx.msk [tilespmem:v6+s13+$0x0], $0xffff;
	_ =	sdelay $0x4  }
0xa3: {  	[tilespmem:v7+s3+$0x0] =	vst.idx.add.f32.msk $0xffff, v6  }
0xa4: {  	v6 =	vld [tilespmem:$0x110];
	_ =	sdelay $0x4  }
0xa5: {  	v7 =	vld [tilespmem:$0x190];
	_ =	sdelay $0x2  }
0xa6: {  	v6 =	vld.idx.msk [tilespmem:v6+s13+$0x0], $0xffff;
	_ =	sdelay $0x4  }
0xa7: {  	[tilespmem:v7+s3+$0x0] =	vst.idx.add.f32.msk $0xffff, v6  }
0xa8: {  	v6 =	vld [tilespmem:$0x120];
	_ =	sdelay $0x4  }
0xa9: {  	v7 =	vld [tilespmem:$0x1A0];
	_ =	sdelay $0x2  }
0xaa: {  	v6 =	vld.idx.msk [tilespmem:v6+s13+$0x0], $0xffff;
	_ =	sdelay $0x4  }
0xab: {  	[tilespmem:v7+s3+$0x0] =	vst.idx.add.f32.msk $0xffff, v6  }
0xac: {  	v6 =	vld [tilespmem:$0x130];
	_ =	sdelay $0x4  }
0xad: {  	v7 =	vld [tilespmem:$0x1B0];
	_ =	sdelay $0x2  }
0xae: {  	v6 =	vld.idx.msk [tilespmem:v6+s13+$0x0], $0xffff;
	_ =	sdelay $0x4  }
0xaf: {  	[tilespmem:v7+s3+$0x0] =	vst.idx.add.f32.msk $0xffff, v6  }
0xb0: {  	_ =	swait.ge [sflag:s4], $0x2000  }
0xb1: {  	[sflag:s4] =	ssyncset.done $0x0  }
0xb2: {  	s6 =	simm.s32 $0x180;
	s7 =	simm.s32 $0x2200;
	[sflag:s4] =	ssyncadd.s32 $0xFFFFE000  }
0xb3: {  	[spmem:s1] =	stream.indirect.scatter.add.f32 [tilespmem:s7], [sflag:$0x5], $0x80, s6, s2, $0xb8;
	[tilespmem:$0x1D500] =	vst v63  }
0xb4: {  	_ =	swait.ge [sflag:s14], $0x2000  }
0xb5: {  	[sflag:s14] =	ssyncset.done $0x0  }
0xb6: {  	[sflag:s14] =	ssyncadd.s32 $0xFFFFE000  }
0xb7: {  	s10 =	simm.s32 $0x50;
	s8 =	simm.s32 $0x9200;
	s9 =	rddreg [dreg:$0x3]  }
0xb8: {  	[spmem:s9] =	stream.indirect.scatter.add.f32 [tilespmem:s3], [sflag:$0x5], $0x80, s8, s10, $0xb8;
	[tilespmem:$0x1D500] =	vst v63  }
0xb9: {  	_ =	swait.ge [sflag:s14], $0x2800  }
0xba: {  	[sflag:s14] =	ssyncset.done $0x0  }
0xbb: {  	s11 =	stileid.u32;
	[sflag:s14] =	ssyncadd.s32 $0xFFFFD800  }
0xbc: {  	s6 =	sshll.u32 s11, $0x6;
	[bflag:$0x0] =	sbarrier.arrive $0xFFFF  }
0xbd: {  	s15 =	sshrl.u32 s18, $0x3;
	s6 =	sor.u32 $0x1C05, s6;
	s17 =	rddreg [dreg:$0x5]  }
0xbe: {  	[hbm:s17], [sflag:s6] =	dma.local [spmem:s15], $0x400  }
0xbf: {  	_ =	swait.ge [sflag:s14], $0x400  }
0xc0: {  	[sflag:s14] =	ssyncset.done $0x0  }
0xc1: {  	s8 =	sshrl.u32 s19, $0x3;
	s9 =	rddreg [dreg:$0x6];
	[sflag:s14] =	ssyncadd.s32 $0xFFFFFC00  }
0xc2: {  	[hbm:s9], [sflag:s6] =	dma.local [spmem:s8], $0x400  }
0xc3: {  	_ =	swait.ge [sflag:s14], $0x400  }
0xc4: {  	[sflag:s14] =	ssyncset.done $0x0  }
0xc5: {  	s10 =	sshrl.u32 s20, $0x3;
	s11 =	rddreg [dreg:$0x7];
	[sflag:s14] =	ssyncadd.s32 $0xFFFFFC00  }
0xc6: {  	[hbm:s11], [sflag:s6] =	dma.local [spmem:s10], $0x400  }
0xc7: {  	_ =	swait.ge [sflag:s14], $0x400  }
0xc8: {  	[sflag:s14] =	ssyncset.done $0x0  }
0xc9: {  	s15 =	sshrl.u32 s21, $0x3;
	s17 =	rddreg [dreg:$0x8];
	[sflag:s14] =	ssyncadd.s32 $0xFFFFFC00  }
0xca: {  	[hbm:s17], [sflag:s6] =	dma.local [spmem:s15], $0x400  }
0xcb: {  	_ =	swait.ge [sflag:s14], $0x400  }
0xcc: {  	[sflag:s14] =	ssyncset.done $0x0  }
0xcd: {  	s8 =	sshrl.u32 s22, $0x3;
	s9 =	rddreg [dreg:$0x9];
	[sflag:s14] =	ssyncadd.s32 $0xFFFFFC00  }
0xce: {  	[hbm:s9], [sflag:s6] =	dma.local [spmem:s8], $0x400  }
0xcf: {  	_ =	swait.ge [sflag:s14], $0x400  }
0xd0: {  	[sflag:s14] =	ssyncset.done $0x0  }
0xd1: {  	s10 =	sshrl.u32 s23, $0x3;
	s11 =	rddreg [dreg:$0xa];
	[sflag:s14] =	ssyncadd.s32 $0xFFFFFC00  }
0xd2: {  	[hbm:s11], [sflag:s6] =	dma.local [spmem:s10], $0x400  }
0xd3: {  	_ =	swait.ge [sflag:s14], $0x400  }
0xd4: {  	[sflag:s14] =	ssyncset.done $0x0  }
0xd5: {  	s15 =	sshrl.u32 s24, $0x3;
	s17 =	rddreg [dreg:$0xb];
	[sflag:s14] =	ssyncadd.s32 $0xFFFFFC00  }
0xd6: {  	[hbm:s17], [sflag:s6] =	dma.local [spmem:s15], $0x400  }
0xd7: {  	_ =	swait.ge [sflag:s14], $0x400  }
0xd8: {  	[sflag:s14] =	ssyncset.done $0x0  }
0xd9: {  	s8 =	sshrl.u32 s25, $0x3;
	s9 =	rddreg [dreg:$0xc];
	[sflag:s14] =	ssyncadd.s32 $0xFFFFFC00  }
0xda: {  	[hbm:s9], [sflag:s6] =	dma.local [spmem:s8], $0x400  }
0xdb: {  	_ =	swait.ge [sflag:s14], $0x400  }
0xdc: {  	[sflag:s14] =	ssyncset.done $0x0  }
0xdd: {  	s10 =	sshrl.u32 s26, $0x3;
	s11 =	rddreg [dreg:$0xd];
	[sflag:s14] =	ssyncadd.s32 $0xFFFFFC00  }
0xde: {  	[hbm:s11], [sflag:s6] =	dma.local [spmem:s10], $0x400  }
0xdf: {  	_ =	swait.ge [sflag:s14], $0x400  }
0xe0: {  	[sflag:s14] =	ssyncset.done $0x0  }
0xe1: {  	s15 =	sshrl.u32 s28, $0x3;
	s17 =	rddreg [dreg:$0xe];
	[sflag:s14] =	ssyncadd.s32 $0xFFFFFC00  }
0xe2: {  	[hbm:s17], [sflag:s6] =	dma.local [spmem:s15], $0x400  }
0xe3: {  	s5 =	sadd.s32 $0x1, s5;
	_ =	swait.ge [sflag:s14], $0x400  }
0xe4: {  	p1 =	sne.s32 s5, s31;
	[sflag:s14] =	ssyncset.done $0x0  }
0xe5: {  	s7 =	sshrl.u32 @!p0 s29, $0x3;
	s8 =	rddreg [dreg:$0xf];
	[sflag:s14] =	ssyncadd.s32 $0xFFFFFC00  }
0xe6: {  	[hbm:s8], [sflag:s6] =	dma.local @!p0 [spmem:s7], $0x80  }
.Ltmp3:
0xe7: {  	_ = 	snop;
	(pc) =	sbr.rel @p1 .LBB2_1-.Ltmp3, $4  }
0xe8: {  	s6 =	simm.s32 @!p0 $0x5  }
0xe9: {  	_ =	swait.ge @!p0 [sflag:s6], $0x80  }
0xea: {  	[sflag:s6] =	ssyncset.done @!p0 $0x0  }
0xeb: {  	[sflag:s6] =	ssyncadd.s32 @!p0 $0xFFFFFF80  }
0xec: {  	_ =	sfence.sel $0x180000  }
0xed: {  	[bflag:$0x0] =	sbarrier.arrive $0xFFFF  }
0xee: {  	_ =	strace $0x90000047  }
0xef: {  	s0 =	stileid.u32;
	[bflag:$0x2] =	sbarrier.arrive $0xFFFF  }
0xf0: {  	p0 =	sne.s32 s0, $0x0;
	s0 =	rddreg [dreg:$0x4]  }
0xf1: {  	s0 =	sadd.s32 @!p0 $0x100000, s0  }
0xf2: {  	[sflag:s0] =	ssyncadd.tile.s32 @!p0 $0x1;
	_ =	shalt  }
.Lfunc_end2:
_tile_overlayer_lowered:
.L_overlay_start_2:
0xf3: {  	(tag) =	ssettag $0x2  }
0xf4: {  	s0 =	rddreg [dreg:$0x0];
	s2 =	stileid.u32  }
0xf5: {  	s1 =	rddreg [dreg:$0x1];
	p0 =	sne.s32 s2, $0x0  }
0xf6: {  	s3 =	rddreg [dreg:$0x2];
	[bflag:$0x3] =	sbarrier.arrive $0xFFFF;
	s2 =	simm.s32 @!p0 $0x1C05  }
0xf7: {  	[timem:s3], [sflag:s2] =	dma.local @!p0 [hbm:s0], s1  }
0xf8: {  	s0 =	simm.s32 @!p0 $0x5  }
0xf9: {  	_ =	swait.ge @!p0 [sflag:s0], s1  }
0xfa: {  	s1 =	ssub.s32 @!p0 $0x0, s1;
	[sflag:s0] =	ssyncset.done @!p0 $0x0  }
0xfb: {  	[sflag:s0] =	ssyncadd.s32 @!p0 s1  }
0xfc: {  	[bflag:$0x3] =	sbarrier.arrive $0xFFFF  }
0xfd: {  	_ =	shalt  }

</sc_bundles>
